<compile_context>
chip_gen: v7x
topology: tpu7x:2x2x1
jax: 0.10.2.dev20260603
libtpu: 0.0.44.dev20260713+nightly
codegen_flags: <defaults>
</compile_context>

<pallas_src>
import jax
import jax.numpy as jnp
from jax import lax
from jax.experimental import pallas as pl
from jax.experimental.pallas import tpu as pltpu
from jax.experimental.pallas import tpu_sc as plsc

N_DEPTHS = 3
N_LABELS = 4096
BATCH = 4096
L = 16
WORDS = N_LABELS // 4

NC = 2
NS = 16
NW = NC * NS

BPW = BATCH // NW
ROWS_PER_CHUNK = 48
CHUNKS = (BPW * N_DEPTHS) // ROWS_PER_CHUNK


def _body(labels_hbm, table_hbm, out_hbm, lab_v, idx_v, buf_v, gsem0, gsem1, ssem0, ssem1):
    gsem = (gsem0, gsem1)
    ssem = (ssem0, ssem1)
    wid = lax.axis_index("s") * NC + lax.axis_index("c")
    base = wid * BPW
    out_base = base * N_DEPTHS

    pltpu.sync_copy(labels_hbm, lab_v)

    iota = lax.iota(jnp.int32, L)
    for g in range((BPW * N_DEPTHS) // L):
        jv = iota + (out_base + g * L)
        d = lax.shift_right_logical(jv, 12)
        i = jv - (d << 12)
        leaf = plsc.load_gather(lab_v, [i * N_DEPTHS + (N_DEPTHS - 1)])
        c, off = (g * L) // ROWS_PER_CHUNK, (g * L) % ROWS_PER_CHUNK
        idx_v[c, pl.ds(off, L)] = leaf + (d << 12)

    def gather(c, b):
        return pltpu.async_copy(table_hbm.at[idx_v.at[c]], buf_v.at[b], gsem[b])

    def store(c, b):
        return pltpu.async_copy(
            buf_v.at[b],
            out_hbm.at[pl.ds(out_base + c * ROWS_PER_CHUNK, ROWS_PER_CHUNK)],
            ssem[b],
        )

    gd = [gather(0, 0), None]
    sd = [None, None]
    for c in range(CHUNKS):
        b = c & 1
        gd[b].wait()
        if c + 1 < CHUNKS:
            nb = 1 - b
            if sd[nb] is not None:
                sd[nb].wait()
            gd[nb] = gather(c + 1, nb)
        sd[b] = store(c, b)
    sd[0].wait()
    sd[1].wait()


def kernel(labels, adversaries):
    labels_flat = labels.reshape(BATCH * N_DEPTHS)
    a = adversaries.reshape(N_DEPTHS * N_LABELS, N_LABELS)
    table = (
        a[:, 0 * WORDS : 1 * WORDS].astype(jnp.uint32)
        | (a[:, 1 * WORDS : 2 * WORDS].astype(jnp.uint32) << 8)
        | (a[:, 2 * WORDS : 3 * WORDS].astype(jnp.uint32) << 16)
        | (a[:, 3 * WORDS : 4 * WORDS].astype(jnp.uint32) << 24)
    )
    mesh = plsc.VectorSubcoreMesh(core_axis_name="c", subcore_axis_name="s")
    run = pl.kernel(
        _body,
        out_type=jax.ShapeDtypeStruct((BATCH * N_DEPTHS, WORDS), jnp.uint32),
        mesh=mesh,
        compiler_params=pltpu.CompilerParams(needs_layout_passes=False),
        scratch_types=[
            pltpu.VMEM((BATCH * N_DEPTHS,), jnp.int32),
            pltpu.VMEM((CHUNKS, ROWS_PER_CHUNK), jnp.int32),
            pltpu.VMEM((2, ROWS_PER_CHUNK, WORDS), jnp.uint32),
            pltpu.SemaphoreType.DMA,
            pltpu.SemaphoreType.DMA,
            pltpu.SemaphoreType.DMA,
            pltpu.SemaphoreType.DMA,
        ],
    )
    out_words = run(labels_flat, table)
    out = jnp.concatenate(
        [((out_words >> (8 * k)) & 0xFF) != 0 for k in range(4)], axis=1
    )
    return out.reshape(N_DEPTHS, BATCH, N_LABELS).transpose(1, 0, 2)

# --- scband reference (transcript-rebuilt; emitter-appended) ---
"""Pipeline reference for scband-hierachical-label-masking-34737695490471 (READ-ONLY COPY).

The authoritative reference and input builder live on the scoring server;
editing this copy changes nothing except your own understanding.
"""

import jax, jax.numpy as jnp
import numpy as np

N_DEPTHS = 3
N_LABELS = 4096
BATCH = 4096


def setup_inputs(seed: int = 0) -> dict:
    key = jax.random.key(seed)
    k1, k2 = jax.random.split(key)
    labels = jax.random.randint(k1, (BATCH, N_DEPTHS), 0, N_LABELS, dtype=jnp.int32)
    # learned/constant parameter of the layer: boolean adversary masks per (depth, leaf_label)
    adversaries = jax.random.bernoulli(k2, 0.5, (N_DEPTHS, N_LABELS, N_LABELS))
    return {"labels": labels, "adversaries": adversaries}


def reference(labels, adversaries):
    # Faithful translation of HierachicalLabelMasking.call
    # label_leaf = labels[:, -1]; for each depth d: gather_nd(adversaries, [d, leaf])
    n_depths = adversaries.shape[0]
    label_leaf = labels[:, -1]
    masks = []
    for depth in range(n_depths):
        # tf.gather_nd(adversaries, [[depth, leaf_i]]) == adversaries[depth][leaf_i]
        masks.append(jnp.take(adversaries[depth], label_leaf, axis=0))
    # concat masks along new depth axis -> [batch, n_depths, n_labels]
    masks = jnp.stack(masks, axis=1)
    return masks

if __name__ == "__main__":
    import jax
    _d = setup_inputs()
    print(jax.jit(kernel)(*tuple(_d.values())))

</pallas_src>

<mosaic_0001>
#map = affine_map<(d0, d1) -> (0)>
#map1 = affine_map<(d0, d1) -> (0, 0)>
module attributes {stable_mosaic.version = 14 : i64} {
  func.func @_body(%arg0: i32, %arg1: i32, %arg2: memref<12288xi32, #tpu.memory_space<hbm>>, %arg3: memref<12288x1024xi32, #tpu.memory_space<hbm>>, %arg4: memref<12288x1024xi32, #tpu.memory_space<hbm>>, %arg5: memref<12288xi32, #tpu.memory_space<vmem>>, %arg6: memref<8x48xi32, #tpu.memory_space<vmem>>, %arg7: memref<2x48x1024xi32, #tpu.memory_space<vmem>>, %arg8: memref<!tpu.dma_semaphore, #tpu.memory_space<semaphore_mem>>, %arg9: memref<!tpu.dma_semaphore, #tpu.memory_space<semaphore_mem>>, %arg10: memref<!tpu.dma_semaphore, #tpu.memory_space<semaphore_mem>>, %arg11: memref<!tpu.dma_semaphore, #tpu.memory_space<semaphore_mem>>) attributes {dimension_semantics = [#tpu.dimension_semantics<core_parallel>, #tpu.dimension_semantics<subcore_parallel>], iteration_bounds = array<i64: 2, 16>, scalar_prefetch = 0 : i64, scratch_operands = 7 : i64, tpu.core_type = #tpu.core_type<sc_vector_subcore>, window_params = [{transform_indices = #map}, {transform_indices = #map1}, {transform_indices = #map1}]} {
    %mul3A = arith.constant 2 : i32
    %mul3A_0 = arith.muli %arg1, %mul3A : i32
    %add3A = arith.addi %mul3A_0, %arg0 : i32
    %mul3A_1 = arith.constant 128 : i32
    %mul3A_2 = arith.muli %add3A, %mul3A_1 : i32
    %mul3A_3 = arith.constant 3 : i32
    %mul3A_4 = arith.muli %mul3A_2, %mul3A_3 : i32
    "tpu.region"() ({
      %run_scoped3A = tpu.sem_alloc : memref<!tpu.dma_semaphore, #tpu.memory_space<semaphore_mem>>
      tpu.enqueue_dma source(%arg2 : memref<12288xi32, #tpu.memory_space<hbm>>) target(%arg5 : memref<12288xi32, #tpu.memory_space<vmem>>) target_semaphore(%run_scoped3A : memref<!tpu.dma_semaphore, #tpu.memory_space<semaphore_mem>>)
      tpu.wait_dma2 semaphore(%run_scoped3A : memref<!tpu.dma_semaphore, #tpu.memory_space<semaphore_mem>>) src(%arg2 : memref<12288xi32, #tpu.memory_space<hbm>>) dst(%arg5 : memref<12288xi32, #tpu.memory_space<vmem>>)
      tpu.yield
    }) : () -> ()
    %iota3A = tpu.iota {dimensions = array<i32: 0>} : vector<16xi32>
    %add3A_5 = arith.constant 0 : i32
    %add3A_6 = arith.addi %mul3A_4, %add3A_5 : i32
    %add3A_7 = vector.broadcast %add3A_6 : i32 to vector<16xi32>
    %add3A_8 = arith.addi %iota3A, %add3A_7 : vector<16xi32>
    %shift_right_logical3A = arith.constant 12 : i32
    %shift_right_logical3A_9 = vector.broadcast %shift_right_logical3A : i32 to vector<16xi32>
    %shift_right_logical3A_10 = arith.shrui %add3A_8, %shift_right_logical3A_9 : vector<16xi32>
    %shift_left3A = arith.constant 12 : i32
    %shift_left3A_11 = vector.broadcast %shift_left3A : i32 to vector<16xi32>
    %shift_left3A_12 = arith.shli %shift_right_logical3A_10, %shift_left3A_11 : vector<16xi32>
    %sub3A = arith.subi %add3A_8, %shift_left3A_12 : vector<16xi32>
    %mul3A_13 = arith.constant 3 : i32
    %mul3A_14 = vector.broadcast %mul3A_13 : i32 to vector<16xi32>
    %mul3A_15 = arith.muli %sub3A, %mul3A_14 : vector<16xi32>
    %add3A_16 = arith.constant 2 : i32
    %add3A_17 = vector.broadcast %add3A_16 : i32 to vector<16xi32>
    %add3A_18 = arith.addi %mul3A_15, %add3A_17 : vector<16xi32>
    %gather3A = tpu.vector_load_idx %arg5[%add3A_18] : memref<12288xi32, #tpu.memory_space<vmem>>[vector<16xi32>], vector<16xi32>,
    %shift_left3A_19 = arith.constant 12 : i32
    %shift_left3A_20 = vector.broadcast %shift_left3A_19 : i32 to vector<16xi32>
    %shift_left3A_21 = arith.shli %shift_right_logical3A_10, %shift_left3A_20 : vector<16xi32>
    %add3A_22 = arith.addi %gather3A, %shift_left3A_21 : vector<16xi32>
    %swap3A = arith.constant 0 : i32
    %swap3A_23 = arith.index_cast %swap3A : i32 to index
    %swap3A_24 = arith.constant 0 : index
    %swap3A_25 = tpu.vector_load %arg6[%swap3A_23, %swap3A_24] {strides = array<i32>} : memref<8x48xi32, #tpu.memory_space<vmem>>, vector<16xi32>,
    tpu.vector_store %arg6[%swap3A_23, %swap3A_24], %add3A_22 {strides = array<i32>} : memref<8x48xi32, #tpu.memory_space<vmem>>, vector<16xi32>,
    %add3A_26 = arith.constant 16 : i32
    %add3A_27 = arith.addi %mul3A_4, %add3A_26 : i32
    %add3A_28 = vector.broadcast %add3A_27 : i32 to vector<16xi32>
    %add3A_29 = arith.addi %iota3A, %add3A_28 : vector<16xi32>
    %shift_right_logical3A_30 = arith.constant 12 : i32
    %shift_right_logical3A_31 = vector.broadcast %shift_right_logical3A_30 : i32 to vector<16xi32>
    %shift_right_logical3A_32 = arith.shrui %add3A_29, %shift_right_logical3A_31 : vector<16xi32>
    %shift_left3A_33 = arith.constant 12 : i32
    %shift_left3A_34 = vector.broadcast %shift_left3A_33 : i32 to vector<16xi32>
    %shift_left3A_35 = arith.shli %shift_right_logical3A_32, %shift_left3A_34 : vector<16xi32>
    %sub3A_36 = arith.subi %add3A_29, %shift_left3A_35 : vector<16xi32>
    %mul3A_37 = arith.constant 3 : i32
    %mul3A_38 = vector.broadcast %mul3A_37 : i32 to vector<16xi32>
    %mul3A_39 = arith.muli %sub3A_36, %mul3A_38 : vector<16xi32>
    %add3A_40 = arith.constant 2 : i32
    %add3A_41 = vector.broadcast %add3A_40 : i32 to vector<16xi32>
    %add3A_42 = arith.addi %mul3A_39, %add3A_41 : vector<16xi32>
    %gather3A_43 = tpu.vector_load_idx %arg5[%add3A_42] : memref<12288xi32, #tpu.memory_space<vmem>>[vector<16xi32>], vector<16xi32>,
    %shift_left3A_44 = arith.constant 12 : i32
    %shift_left3A_45 = vector.broadcast %shift_left3A_44 : i32 to vector<16xi32>
    %shift_left3A_46 = arith.shli %shift_right_logical3A_32, %shift_left3A_45 : vector<16xi32>
    %add3A_47 = arith.addi %gather3A_43, %shift_left3A_46 : vector<16xi32>
    %swap3A_48 = arith.constant 0 : i32
    %swap3A_49 = arith.index_cast %swap3A_48 : i32 to index
    %swap3A_50 = arith.constant 16 : index
    %swap3A_51 = tpu.vector_load %arg6[%swap3A_49, %swap3A_50] {strides = array<i32>} : memref<8x48xi32, #tpu.memory_space<vmem>>, vector<16xi32>,
    tpu.vector_store %arg6[%swap3A_49, %swap3A_50], %add3A_47 {strides = array<i32>} : memref<8x48xi32, #tpu.memory_space<vmem>>, vector<16xi32>,
    %add3A_52 = arith.constant 32 : i32
    %add3A_53 = arith.addi %mul3A_4, %add3A_52 : i32
    %add3A_54 = vector.broadcast %add3A_53 : i32 to vector<16xi32>
    %add3A_55 = arith.addi %iota3A, %add3A_54 : vector<16xi32>
    %shift_right_logical3A_56 = arith.constant 12 : i32
    %shift_right_logical3A_57 = vector.broadcast %shift_right_logical3A_56 : i32 to vector<16xi32>
    %shift_right_logical3A_58 = arith.shrui %add3A_55, %shift_right_logical3A_57 : vector<16xi32>
    %shift_left3A_59 = arith.constant 12 : i32
    %shift_left3A_60 = vector.broadcast %shift_left3A_59 : i32 to vector<16xi32>
    %shift_left3A_61 = arith.shli %shift_right_logical3A_58, %shift_left3A_60 : vector<16xi32>
    %sub3A_62 = arith.subi %add3A_55, %shift_left3A_61 : vector<16xi32>
    %mul3A_63 = arith.constant 3 : i32
    %mul3A_64 = vector.broadcast %mul3A_63 : i32 to vector<16xi32>
    %mul3A_65 = arith.muli %sub3A_62, %mul3A_64 : vector<16xi32>
    %add3A_66 = arith.constant 2 : i32
    %add3A_67 = vector.broadcast %add3A_66 : i32 to vector<16xi32>
    %add3A_68 = arith.addi %mul3A_65, %add3A_67 : vector<16xi32>
    %gather3A_69 = tpu.vector_load_idx %arg5[%add3A_68] : memref<12288xi32, #tpu.memory_space<vmem>>[vector<16xi32>], vector<16xi32>,
    %shift_left3A_70 = arith.constant 12 : i32
    %shift_left3A_71 = vector.broadcast %shift_left3A_70 : i32 to vector<16xi32>
    %shift_left3A_72 = arith.shli %shift_right_logical3A_58, %shift_left3A_71 : vector<16xi32>
    %add3A_73 = arith.addi %gather3A_69, %shift_left3A_72 : vector<16xi32>
    %swap3A_74 = arith.constant 0 : i32
    %swap3A_75 = arith.index_cast %swap3A_74 : i32 to index
    %swap3A_76 = arith.constant 32 : index
    %swap3A_77 = tpu.vector_load %arg6[%swap3A_75, %swap3A_76] {strides = array<i32>} : memref<8x48xi32, #tpu.memory_space<vmem>>, vector<16xi32>,
    tpu.vector_store %arg6[%swap3A_75, %swap3A_76], %add3A_73 {strides = array<i32>} : memref<8x48xi32, #tpu.memory_space<vmem>>, vector<16xi32>,
    %add3A_78 = arith.constant 48 : i32
    %add3A_79 = arith.addi %mul3A_4, %add3A_78 : i32
    %add3A_80 = vector.broadcast %add3A_79 : i32 to vector<16xi32>
    %add3A_81 = arith.addi %iota3A, %add3A_80 : vector<16xi32>
    %shift_right_logical3A_82 = arith.constant 12 : i32
    %shift_right_logical3A_83 = vector.broadcast %shift_right_logical3A_82 : i32 to vector<16xi32>
    %shift_right_logical3A_84 = arith.shrui %add3A_81, %shift_right_logical3A_83 : vector<16xi32>
    %shift_left3A_85 = arith.constant 12 : i32
    %shift_left3A_86 = vector.broadcast %shift_left3A_85 : i32 to vector<16xi32>
    %shift_left3A_87 = arith.shli %shift_right_logical3A_84, %shift_left3A_86 : vector<16xi32>
    %sub3A_88 = arith.subi %add3A_81, %shift_left3A_87 : vector<16xi32>
    %mul3A_89 = arith.constant 3 : i32
    %mul3A_90 = vector.broadcast %mul3A_89 : i32 to vector<16xi32>
    %mul3A_91 = arith.muli %sub3A_88, %mul3A_90 : vector<16xi32>
    %add3A_92 = arith.constant 2 : i32
    %add3A_93 = vector.broadcast %add3A_92 : i32 to vector<16xi32>
    %add3A_94 = arith.addi %mul3A_91, %add3A_93 : vector<16xi32>
    %gather3A_95 = tpu.vector_load_idx %arg5[%add3A_94] : memref<12288xi32, #tpu.memory_space<vmem>>[vector<16xi32>], vector<16xi32>,
    %shift_left3A_96 = arith.constant 12 : i32
    %shift_left3A_97 = vector.broadcast %shift_left3A_96 : i32 to vector<16xi32>
    %shift_left3A_98 = arith.shli %shift_right_logical3A_84, %shift_left3A_97 : vector<16xi32>
    %add3A_99 = arith.addi %gather3A_95, %shift_left3A_98 : vector<16xi32>
    %swap3A_100 = arith.constant 1 : i32
    %swap3A_101 = arith.index_cast %swap3A_100 : i32 to index
    %swap3A_102 = arith.constant 0 : index
    %swap3A_103 = tpu.vector_load %arg6[%swap3A_101, %swap3A_102] {strides = array<i32>} : memref<8x48xi32, #tpu.memory_space<vmem>>, vector<16xi32>,
    tpu.vector_store %arg6[%swap3A_101, %swap3A_102], %add3A_99 {strides = array<i32>} : memref<8x48xi32, #tpu.memory_space<vmem>>, vector<16xi32>,
    %add3A_104 = arith.constant 64 : i32
    %add3A_105 = arith.addi %mul3A_4, %add3A_104 : i32
    %add3A_106 = vector.broadcast %add3A_105 : i32 to vector<16xi32>
    %add3A_107 = arith.addi %iota3A, %add3A_106 : vector<16xi32>
    %shift_right_logical3A_108 = arith.constant 12 : i32
    %shift_right_logical3A_109 = vector.broadcast %shift_right_logical3A_108 : i32 to vector<16xi32>
    %shift_right_logical3A_110 = arith.shrui %add3A_107, %shift_right_logical3A_109 : vector<16xi32>
    %shift_left3A_111 = arith.constant 12 : i32
    %shift_left3A_112 = vector.broadcast %shift_left3A_111 : i32 to vector<16xi32>
    %shift_left3A_113 = arith.shli %shift_right_logical3A_110, %shift_left3A_112 : vector<16xi32>
    %sub3A_114 = arith.subi %add3A_107, %shift_left3A_113 : vector<16xi32>
    %mul3A_115 = arith.constant 3 : i32
    %mul3A_116 = vector.broadcast %mul3A_115 : i32 to vector<16xi32>
    %mul3A_117 = arith.muli %sub3A_114, %mul3A_116 : vector<16xi32>
    %add3A_118 = arith.constant 2 : i32
    %add3A_119 = vector.broadcast %add3A_118 : i32 to vector<16xi32>
    %add3A_120 = arith.addi %mul3A_117, %add3A_119 : vector<16xi32>
    %gather3A_121 = tpu.vector_load_idx %arg5[%add3A_120] : memref<12288xi32, #tpu.memory_space<vmem>>[vector<16xi32>], vector<16xi32>,
    %shift_left3A_122 = arith.constant 12 : i32
    %shift_left3A_123 = vector.broadcast %shift_left3A_122 : i32 to vector<16xi32>
    %shift_left3A_124 = arith.shli %shift_right_logical3A_110, %shift_left3A_123 : vector<16xi32>
    %add3A_125 = arith.addi %gather3A_121, %shift_left3A_124 : vector<16xi32>
    %swap3A_126 = arith.constant 1 : i32
    %swap3A_127 = arith.index_cast %swap3A_126 : i32 to index
    %swap3A_128 = arith.constant 16 : index
    %swap3A_129 = tpu.vector_load %arg6[%swap3A_127, %swap3A_128] {strides = array<i32>} : memref<8x48xi32, #tpu.memory_space<vmem>>, vector<16xi32>,
    tpu.vector_store %arg6[%swap3A_127, %swap3A_128], %add3A_125 {strides = array<i32>} : memref<8x48xi32, #tpu.memory_space<vmem>>, vector<16xi32>,
    %add3A_130 = arith.constant 80 : i32
    %add3A_131 = arith.addi %mul3A_4, %add3A_130 : i32
    %add3A_132 = vector.broadcast %add3A_131 : i32 to vector<16xi32>
    %add3A_133 = arith.addi %iota3A, %add3A_132 : vector<16xi32>
    %shift_right_logical3A_134 = arith.constant 12 : i32
    %shift_right_logical3A_135 = vector.broadcast %shift_right_logical3A_134 : i32 to vector<16xi32>
    %shift_right_logical3A_136 = arith.shrui %add3A_133, %shift_right_logical3A_135 : vector<16xi32>
    %shift_left3A_137 = arith.constant 12 : i32
    %shift_left3A_138 = vector.broadcast %shift_left3A_137 : i32 to vector<16xi32>
    %shift_left3A_139 = arith.shli %shift_right_logical3A_136, %shift_left3A_138 : vector<16xi32>
    %sub3A_140 = arith.subi %add3A_133, %shift_left3A_139 : vector<16xi32>
    %mul3A_141 = arith.constant 3 : i32
    %mul3A_142 = vector.broadcast %mul3A_141 : i32 to vector<16xi32>
    %mul3A_143 = arith.muli %sub3A_140, %mul3A_142 : vector<16xi32>
    %add3A_144 = arith.constant 2 : i32
    %add3A_145 = vector.broadcast %add3A_144 : i32 to vector<16xi32>
    %add3A_146 = arith.addi %mul3A_143, %add3A_145 : vector<16xi32>
    %gather3A_147 = tpu.vector_load_idx %arg5[%add3A_146] : memref<12288xi32, #tpu.memory_space<vmem>>[vector<16xi32>], vector<16xi32>,
    %shift_left3A_148 = arith.constant 12 : i32
    %shift_left3A_149 = vector.broadcast %shift_left3A_148 : i32 to vector<16xi32>
    %shift_left3A_150 = arith.shli %shift_right_logical3A_136, %shift_left3A_149 : vector<16xi32>
    %add3A_151 = arith.addi %gather3A_147, %shift_left3A_150 : vector<16xi32>
    %swap3A_152 = arith.constant 1 : i32
    %swap3A_153 = arith.index_cast %swap3A_152 : i32 to index
    %swap3A_154 = arith.constant 32 : index
    %swap3A_155 = tpu.vector_load %arg6[%swap3A_153, %swap3A_154] {strides = array<i32>} : memref<8x48xi32, #tpu.memory_space<vmem>>, vector<16xi32>,
    tpu.vector_store %arg6[%swap3A_153, %swap3A_154], %add3A_151 {strides = array<i32>} : memref<8x48xi32, #tpu.memory_space<vmem>>, vector<16xi32>,
    %add3A_156 = arith.constant 96 : i32
    %add3A_157 = arith.addi %mul3A_4, %add3A_156 : i32
    %add3A_158 = vector.broadcast %add3A_157 : i32 to vector<16xi32>
    %add3A_159 = arith.addi %iota3A, %add3A_158 : vector<16xi32>
    %shift_right_logical3A_160 = arith.constant 12 : i32
    %shift_right_logical3A_161 = vector.broadcast %shift_right_logical3A_160 : i32 to vector<16xi32>
    %shift_right_logical3A_162 = arith.shrui %add3A_159, %shift_right_logical3A_161 : vector<16xi32>
    %shift_left3A_163 = arith.constant 12 : i32
    %shift_left3A_164 = vector.broadcast %shift_left3A_163 : i32 to vector<16xi32>
    %shift_left3A_165 = arith.shli %shift_right_logical3A_162, %shift_left3A_164 : vector<16xi32>
    %sub3A_166 = arith.subi %add3A_159, %shift_left3A_165 : vector<16xi32>
    %mul3A_167 = arith.constant 3 : i32
    %mul3A_168 = vector.broadcast %mul3A_167 : i32 to vector<16xi32>
    %mul3A_169 = arith.muli %sub3A_166, %mul3A_168 : vector<16xi32>
    %add3A_170 = arith.constant 2 : i32
    %add3A_171 = vector.broadcast %add3A_170 : i32 to vector<16xi32>
    %add3A_172 = arith.addi %mul3A_169, %add3A_171 : vector<16xi32>
    %gather3A_173 = tpu.vector_load_idx %arg5[%add3A_172] : memref<12288xi32, #tpu.memory_space<vmem>>[vector<16xi32>], vector<16xi32>,
    %shift_left3A_174 = arith.constant 12 : i32
    %shift_left3A_175 = vector.broadcast %shift_left3A_174 : i32 to vector<16xi32>
    %shift_left3A_176 = arith.shli %shift_right_logical3A_162, %shift_left3A_175 : vector<16xi32>
    %add3A_177 = arith.addi %gather3A_173, %shift_left3A_176 : vector<16xi32>
    %swap3A_178 = arith.constant 2 : i32
    %swap3A_179 = arith.index_cast %swap3A_178 : i32 to index
    %swap3A_180 = arith.constant 0 : index
    %swap3A_181 = tpu.vector_load %arg6[%swap3A_179, %swap3A_180] {strides = array<i32>} : memref<8x48xi32, #tpu.memory_space<vmem>>, vector<16xi32>,
    tpu.vector_store %arg6[%swap3A_179, %swap3A_180], %add3A_177 {strides = array<i32>} : memref<8x48xi32, #tpu.memory_space<vmem>>, vector<16xi32>,
    %add3A_182 = arith.constant 112 : i32
    %add3A_183 = arith.addi %mul3A_4, %add3A_182 : i32
    %add3A_184 = vector.broadcast %add3A_183 : i32 to vector<16xi32>
    %add3A_185 = arith.addi %iota3A, %add3A_184 : vector<16xi32>
    %shift_right_logical3A_186 = arith.constant 12 : i32
    %shift_right_logical3A_187 = vector.broadcast %shift_right_logical3A_186 : i32 to vector<16xi32>
    %shift_right_logical3A_188 = arith.shrui %add3A_185, %shift_right_logical3A_187 : vector<16xi32>
    %shift_left3A_189 = arith.constant 12 : i32
    %shift_left3A_190 = vector.broadcast %shift_left3A_189 : i32 to vector<16xi32>
    %shift_left3A_191 = arith.shli %shift_right_logical3A_188, %shift_left3A_190 : vector<16xi32>
    %sub3A_192 = arith.subi %add3A_185, %shift_left3A_191 : vector<16xi32>
    %mul3A_193 = arith.constant 3 : i32
    %mul3A_194 = vector.broadcast %mul3A_193 : i32 to vector<16xi32>
    %mul3A_195 = arith.muli %sub3A_192, %mul3A_194 : vector<16xi32>
    %add3A_196 = arith.constant 2 : i32
    %add3A_197 = vector.broadcast %add3A_196 : i32 to vector<16xi32>
    %add3A_198 = arith.addi %mul3A_195, %add3A_197 : vector<16xi32>
    %gather3A_199 = tpu.vector_load_idx %arg5[%add3A_198] : memref<12288xi32, #tpu.memory_space<vmem>>[vector<16xi32>], vector<16xi32>,
    %shift_left3A_200 = arith.constant 12 : i32
    %shift_left3A_201 = vector.broadcast %shift_left3A_200 : i32 to vector<16xi32>
    %shift_left3A_202 = arith.shli %shift_right_logical3A_188, %shift_left3A_201 : vector<16xi32>
    %add3A_203 = arith.addi %gather3A_199, %shift_left3A_202 : vector<16xi32>
    %swap3A_204 = arith.constant 2 : i32
    %swap3A_205 = arith.index_cast %swap3A_204 : i32 to index
    %swap3A_206 = arith.constant 16 : index
    %swap3A_207 = tpu.vector_load %arg6[%swap3A_205, %swap3A_206] {strides = array<i32>} : memref<8x48xi32, #tpu.memory_space<vmem>>, vector<16xi32>,
    tpu.vector_store %arg6[%swap3A_205, %swap3A_206], %add3A_203 {strides = array<i32>} : memref<8x48xi32, #tpu.memory_space<vmem>>, vector<16xi32>,
    %add3A_208 = arith.constant 128 : i32
    %add3A_209 = arith.addi %mul3A_4, %add3A_208 : i32
    %add3A_210 = vector.broadcast %add3A_209 : i32 to vector<16xi32>
    %add3A_211 = arith.addi %iota3A, %add3A_210 : vector<16xi32>
    %shift_right_logical3A_212 = arith.constant 12 : i32
    %shift_right_logical3A_213 = vector.broadcast %shift_right_logical3A_212 : i32 to vector<16xi32>
    %shift_right_logical3A_214 = arith.shrui %add3A_211, %shift_right_logical3A_213 : vector<16xi32>
    %shift_left3A_215 = arith.constant 12 : i32
    %shift_left3A_216 = vector.broadcast %shift_left3A_215 : i32 to vector<16xi32>
    %shift_left3A_217 = arith.shli %shift_right_logical3A_214, %shift_left3A_216 : vector<16xi32>
    %sub3A_218 = arith.subi %add3A_211, %shift_left3A_217 : vector<16xi32>
    %mul3A_219 = arith.constant 3 : i32
    %mul3A_220 = vector.broadcast %mul3A_219 : i32 to vector<16xi32>
    %mul3A_221 = arith.muli %sub3A_218, %mul3A_220 : vector<16xi32>
    %add3A_222 = arith.constant 2 : i32
    %add3A_223 = vector.broadcast %add3A_222 : i32 to vector<16xi32>
    %add3A_224 = arith.addi %mul3A_221, %add3A_223 : vector<16xi32>
    %gather3A_225 = tpu.vector_load_idx %arg5[%add3A_224] : memref<12288xi32, #tpu.memory_space<vmem>>[vector<16xi32>], vector<16xi32>,
    %shift_left3A_226 = arith.constant 12 : i32
    %shift_left3A_227 = vector.broadcast %shift_left3A_226 : i32 to vector<16xi32>
    %shift_left3A_228 = arith.shli %shift_right_logical3A_214, %shift_left3A_227 : vector<16xi32>
    %add3A_229 = arith.addi %gather3A_225, %shift_left3A_228 : vector<16xi32>
    %swap3A_230 = arith.constant 2 : i32
    %swap3A_231 = arith.index_cast %swap3A_230 : i32 to index
    %swap3A_232 = arith.constant 32 : index
    %swap3A_233 = tpu.vector_load %arg6[%swap3A_231, %swap3A_232] {strides = array<i32>} : memref<8x48xi32, #tpu.memory_space<vmem>>, vector<16xi32>,
    tpu.vector_store %arg6[%swap3A_231, %swap3A_232], %add3A_229 {strides = array<i32>} : memref<8x48xi32, #tpu.memory_space<vmem>>, vector<16xi32>,
    %add3A_234 = arith.constant 144 : i32
    %add3A_235 = arith.addi %mul3A_4, %add3A_234 : i32
    %add3A_236 = vector.broadcast %add3A_235 : i32 to vector<16xi32>
    %add3A_237 = arith.addi %iota3A, %add3A_236 : vector<16xi32>
    %shift_right_logical3A_238 = arith.constant 12 : i32
    %shift_right_logical3A_239 = vector.broadcast %shift_right_logical3A_238 : i32 to vector<16xi32>
    %shift_right_logical3A_240 = arith.shrui %add3A_237, %shift_right_logical3A_239 : vector<16xi32>
    %shift_left3A_241 = arith.constant 12 : i32
    %shift_left3A_242 = vector.broadcast %shift_left3A_241 : i32 to vector<16xi32>
    %shift_left3A_243 = arith.shli %shift_right_logical3A_240, %shift_left3A_242 : vector<16xi32>
    %sub3A_244 = arith.subi %add3A_237, %shift_left3A_243 : vector<16xi32>
    %mul3A_245 = arith.constant 3 : i32
    %mul3A_246 = vector.broadcast %mul3A_245 : i32 to vector<16xi32>
    %mul3A_247 = arith.muli %sub3A_244, %mul3A_246 : vector<16xi32>
    %add3A_248 = arith.constant 2 : i32
    %add3A_249 = vector.broadcast %add3A_248 : i32 to vector<16xi32>
    %add3A_250 = arith.addi %mul3A_247, %add3A_249 : vector<16xi32>
    %gather3A_251 = tpu.vector_load_idx %arg5[%add3A_250] : memref<12288xi32, #tpu.memory_space<vmem>>[vector<16xi32>], vector<16xi32>,
    %shift_left3A_252 = arith.constant 12 : i32
    %shift_left3A_253 = vector.broadcast %shift_left3A_252 : i32 to vector<16xi32>
    %shift_left3A_254 = arith.shli %shift_right_logical3A_240, %shift_left3A_253 : vector<16xi32>
    %add3A_255 = arith.addi %gather3A_251, %shift_left3A_254 : vector<16xi32>
    %swap3A_256 = arith.constant 3 : i32
    %swap3A_257 = arith.index_cast %swap3A_256 : i32 to index
    %swap3A_258 = arith.constant 0 : index
    %swap3A_259 = tpu.vector_load %arg6[%swap3A_257, %swap3A_258] {strides = array<i32>} : memref<8x48xi32, #tpu.memory_space<vmem>>, vector<16xi32>,
    tpu.vector_store %arg6[%swap3A_257, %swap3A_258], %add3A_255 {strides = array<i32>} : memref<8x48xi32, #tpu.memory_space<vmem>>, vector<16xi32>,
    %add3A_260 = arith.constant 160 : i32
    %add3A_261 = arith.addi %mul3A_4, %add3A_260 : i32
    %add3A_262 = vector.broadcast %add3A_261 : i32 to vector<16xi32>
    %add3A_263 = arith.addi %iota3A, %add3A_262 : vector<16xi32>
    %shift_right_logical3A_264 = arith.constant 12 : i32
    %shift_right_logical3A_265 = vector.broadcast %shift_right_logical3A_264 : i32 to vector<16xi32>
    %shift_right_logical3A_266 = arith.shrui %add3A_263, %shift_right_logical3A_265 : vector<16xi32>
    %shift_left3A_267 = arith.constant 12 : i32
    %shift_left3A_268 = vector.broadcast %shift_left3A_267 : i32 to vector<16xi32>
    %shift_left3A_269 = arith.shli %shift_right_logical3A_266, %shift_left3A_268 : vector<16xi32>
    %sub3A_270 = arith.subi %add3A_263, %shift_left3A_269 : vector<16xi32>
    %mul3A_271 = arith.constant 3 : i32
    %mul3A_272 = vector.broadcast %mul3A_271 : i32 to vector<16xi32>
    %mul3A_273 = arith.muli %sub3A_270, %mul3A_272 : vector<16xi32>
    %add3A_274 = arith.constant 2 : i32
    %add3A_275 = vector.broadcast %add3A_274 : i32 to vector<16xi32>
    %add3A_276 = arith.addi %mul3A_273, %add3A_275 : vector<16xi32>
    %gather3A_277 = tpu.vector_load_idx %arg5[%add3A_276] : memref<12288xi32, #tpu.memory_space<vmem>>[vector<16xi32>], vector<16xi32>,
    %shift_left3A_278 = arith.constant 12 : i32
    %shift_left3A_279 = vector.broadcast %shift_left3A_278 : i32 to vector<16xi32>
    %shift_left3A_280 = arith.shli %shift_right_logical3A_266, %shift_left3A_279 : vector<16xi32>
    %add3A_281 = arith.addi %gather3A_277, %shift_left3A_280 : vector<16xi32>
    %swap3A_282 = arith.constant 3 : i32
    %swap3A_283 = arith.index_cast %swap3A_282 : i32 to index
    %swap3A_284 = arith.constant 16 : index
    %swap3A_285 = tpu.vector_load %arg6[%swap3A_283, %swap3A_284] {strides = array<i32>} : memref<8x48xi32, #tpu.memory_space<vmem>>, vector<16xi32>,
    tpu.vector_store %arg6[%swap3A_283, %swap3A_284], %add3A_281 {strides = array<i32>} : memref<8x48xi32, #tpu.memory_space<vmem>>, vector<16xi32>,
    %add3A_286 = arith.constant 176 : i32
    %add3A_287 = arith.addi %mul3A_4, %add3A_286 : i32
    %add3A_288 = vector.broadcast %add3A_287 : i32 to vector<16xi32>
    %add3A_289 = arith.addi %iota3A, %add3A_288 : vector<16xi32>
    %shift_right_logical3A_290 = arith.constant 12 : i32
    %shift_right_logical3A_291 = vector.broadcast %shift_right_logical3A_290 : i32 to vector<16xi32>
    %shift_right_logical3A_292 = arith.shrui %add3A_289, %shift_right_logical3A_291 : vector<16xi32>
    %shift_left3A_293 = arith.constant 12 : i32
    %shift_left3A_294 = vector.broadcast %shift_left3A_293 : i32 to vector<16xi32>
    %shift_left3A_295 = arith.shli %shift_right_logical3A_292, %shift_left3A_294 : vector<16xi32>
    %sub3A_296 = arith.subi %add3A_289, %shift_left3A_295 : vector<16xi32>
    %mul3A_297 = arith.constant 3 : i32
    %mul3A_298 = vector.broadcast %mul3A_297 : i32 to vector<16xi32>
    %mul3A_299 = arith.muli %sub3A_296, %mul3A_298 : vector<16xi32>
    %add3A_300 = arith.constant 2 : i32
    %add3A_301 = vector.broadcast %add3A_300 : i32 to vector<16xi32>
    %add3A_302 = arith.addi %mul3A_299, %add3A_301 : vector<16xi32>
    %gather3A_303 = tpu.vector_load_idx %arg5[%add3A_302] : memref<12288xi32, #tpu.memory_space<vmem>>[vector<16xi32>], vector<16xi32>,
    %shift_left3A_304 = arith.constant 12 : i32
    %shift_left3A_305 = vector.broadcast %shift_left3A_304 : i32 to vector<16xi32>
    %shift_left3A_306 = arith.shli %shift_right_logical3A_292, %shift_left3A_305 : vector<16xi32>
    %add3A_307 = arith.addi %gather3A_303, %shift_left3A_306 : vector<16xi32>
    %swap3A_308 = arith.constant 3 : i32
    %swap3A_309 = arith.index_cast %swap3A_308 : i32 to index
    %swap3A_310 = arith.constant 32 : index
    %swap3A_311 = tpu.vector_load %arg6[%swap3A_309, %swap3A_310] {strides = array<i32>} : memref<8x48xi32, #tpu.memory_space<vmem>>, vector<16xi32>,
    tpu.vector_store %arg6[%swap3A_309, %swap3A_310], %add3A_307 {strides = array<i32>} : memref<8x48xi32, #tpu.memory_space<vmem>>, vector<16xi32>,
    %add3A_312 = arith.constant 192 : i32
    %add3A_313 = arith.addi %mul3A_4, %add3A_312 : i32
    %add3A_314 = vector.broadcast %add3A_313 : i32 to vector<16xi32>
    %add3A_315 = arith.addi %iota3A, %add3A_314 : vector<16xi32>
    %shift_right_logical3A_316 = arith.constant 12 : i32
    %shift_right_logical3A_317 = vector.broadcast %shift_right_logical3A_316 : i32 to vector<16xi32>
    %shift_right_logical3A_318 = arith.shrui %add3A_315, %shift_right_logical3A_317 : vector<16xi32>
    %shift_left3A_319 = arith.constant 12 : i32
    %shift_left3A_320 = vector.broadcast %shift_left3A_319 : i32 to vector<16xi32>
    %shift_left3A_321 = arith.shli %shift_right_logical3A_318, %shift_left3A_320 : vector<16xi32>
    %sub3A_322 = arith.subi %add3A_315, %shift_left3A_321 : vector<16xi32>
    %mul3A_323 = arith.constant 3 : i32
    %mul3A_324 = vector.broadcast %mul3A_323 : i32 to vector<16xi32>
    %mul3A_325 = arith.muli %sub3A_322, %mul3A_324 : vector<16xi32>
    %add3A_326 = arith.constant 2 : i32
    %add3A_327 = vector.broadcast %add3A_326 : i32 to vector<16xi32>
    %add3A_328 = arith.addi %mul3A_325, %add3A_327 : vector<16xi32>
    %gather3A_329 = tpu.vector_load_idx %arg5[%add3A_328] : memref<12288xi32, #tpu.memory_space<vmem>>[vector<16xi32>], vector<16xi32>,
    %shift_left3A_330 = arith.constant 12 : i32
    %shift_left3A_331 = vector.broadcast %shift_left3A_330 : i32 to vector<16xi32>
    %shift_left3A_332 = arith.shli %shift_right_logical3A_318, %shift_left3A_331 : vector<16xi32>
    %add3A_333 = arith.addi %gather3A_329, %shift_left3A_332 : vector<16xi32>
    %swap3A_334 = arith.constant 4 : i32
    %swap3A_335 = arith.index_cast %swap3A_334 : i32 to index
    %swap3A_336 = arith.constant 0 : index
    %swap3A_337 = tpu.vector_load %arg6[%swap3A_335, %swap3A_336] {strides = array<i32>} : memref<8x48xi32, #tpu.memory_space<vmem>>, vector<16xi32>,
    tpu.vector_store %arg6[%swap3A_335, %swap3A_336], %add3A_333 {strides = array<i32>} : memref<8x48xi32, #tpu.memory_space<vmem>>, vector<16xi32>,
    %add3A_338 = arith.constant 208 : i32
    %add3A_339 = arith.addi %mul3A_4, %add3A_338 : i32
    %add3A_340 = vector.broadcast %add3A_339 : i32 to vector<16xi32>
    %add3A_341 = arith.addi %iota3A, %add3A_340 : vector<16xi32>
    %shift_right_logical3A_342 = arith.constant 12 : i32
    %shift_right_logical3A_343 = vector.broadcast %shift_right_logical3A_342 : i32 to vector<16xi32>
    %shift_right_logical3A_344 = arith.shrui %add3A_341, %shift_right_logical3A_343 : vector<16xi32>
    %shift_left3A_345 = arith.constant 12 : i32
    %shift_left3A_346 = vector.broadcast %shift_left3A_345 : i32 to vector<16xi32>
    %shift_left3A_347 = arith.shli %shift_right_logical3A_344, %shift_left3A_346 : vector<16xi32>
    %sub3A_348 = arith.subi %add3A_341, %shift_left3A_347 : vector<16xi32>
    %mul3A_349 = arith.constant 3 : i32
    %mul3A_350 = vector.broadcast %mul3A_349 : i32 to vector<16xi32>
    %mul3A_351 = arith.muli %sub3A_348, %mul3A_350 : vector<16xi32>
    %add3A_352 = arith.constant 2 : i32
    %add3A_353 = vector.broadcast %add3A_352 : i32 to vector<16xi32>
    %add3A_354 = arith.addi %mul3A_351, %add3A_353 : vector<16xi32>
    %gather3A_355 = tpu.vector_load_idx %arg5[%add3A_354] : memref<12288xi32, #tpu.memory_space<vmem>>[vector<16xi32>], vector<16xi32>,
    %shift_left3A_356 = arith.constant 12 : i32
    %shift_left3A_357 = vector.broadcast %shift_left3A_356 : i32 to vector<16xi32>
    %shift_left3A_358 = arith.shli %shift_right_logical3A_344, %shift_left3A_357 : vector<16xi32>
    %add3A_359 = arith.addi %gather3A_355, %shift_left3A_358 : vector<16xi32>
    %swap3A_360 = arith.constant 4 : i32
    %swap3A_361 = arith.index_cast %swap3A_360 : i32 to index
    %swap3A_362 = arith.constant 16 : index
    %swap3A_363 = tpu.vector_load %arg6[%swap3A_361, %swap3A_362] {strides = array<i32>} : memref<8x48xi32, #tpu.memory_space<vmem>>, vector<16xi32>,
    tpu.vector_store %arg6[%swap3A_361, %swap3A_362], %add3A_359 {strides = array<i32>} : memref<8x48xi32, #tpu.memory_space<vmem>>, vector<16xi32>,
    %add3A_364 = arith.constant 224 : i32
    %add3A_365 = arith.addi %mul3A_4, %add3A_364 : i32
    %add3A_366 = vector.broadcast %add3A_365 : i32 to vector<16xi32>
    %add3A_367 = arith.addi %iota3A, %add3A_366 : vector<16xi32>
    %shift_right_logical3A_368 = arith.constant 12 : i32
    %shift_right_logical3A_369 = vector.broadcast %shift_right_logical3A_368 : i32 to vector<16xi32>
    %shift_right_logical3A_370 = arith.shrui %add3A_367, %shift_right_logical3A_369 : vector<16xi32>
    %shift_left3A_371 = arith.constant 12 : i32
    %shift_left3A_372 = vector.broadcast %shift_left3A_371 : i32 to vector<16xi32>
    %shift_left3A_373 = arith.shli %shift_right_logical3A_370, %shift_left3A_372 : vector<16xi32>
    %sub3A_374 = arith.subi %add3A_367, %shift_left3A_373 : vector<16xi32>
    %mul3A_375 = arith.constant 3 : i32
    %mul3A_376 = vector.broadcast %mul3A_375 : i32 to vector<16xi32>
    %mul3A_377 = arith.muli %sub3A_374, %mul3A_376 : vector<16xi32>
    %add3A_378 = arith.constant 2 : i32
    %add3A_379 = vector.broadcast %add3A_378 : i32 to vector<16xi32>
    %add3A_380 = arith.addi %mul3A_377, %add3A_379 : vector<16xi32>
    %gather3A_381 = tpu.vector_load_idx %arg5[%add3A_380] : memref<12288xi32, #tpu.memory_space<vmem>>[vector<16xi32>], vector<16xi32>,
    %shift_left3A_382 = arith.constant 12 : i32
    %shift_left3A_383 = vector.broadcast %shift_left3A_382 : i32 to vector<16xi32>
    %shift_left3A_384 = arith.shli %shift_right_logical3A_370, %shift_left3A_383 : vector<16xi32>
    %add3A_385 = arith.addi %gather3A_381, %shift_left3A_384 : vector<16xi32>
    %swap3A_386 = arith.constant 4 : i32
    %swap3A_387 = arith.index_cast %swap3A_386 : i32 to index
    %swap3A_388 = arith.constant 32 : index
    %swap3A_389 = tpu.vector_load %arg6[%swap3A_387, %swap3A_388] {strides = array<i32>} : memref<8x48xi32, #tpu.memory_space<vmem>>, vector<16xi32>,
    tpu.vector_store %arg6[%swap3A_387, %swap3A_388], %add3A_385 {strides = array<i32>} : memref<8x48xi32, #tpu.memory_space<vmem>>, vector<16xi32>,
    %add3A_390 = arith.constant 240 : i32
    %add3A_391 = arith.addi %mul3A_4, %add3A_390 : i32
    %add3A_392 = vector.broadcast %add3A_391 : i32 to vector<16xi32>
    %add3A_393 = arith.addi %iota3A, %add3A_392 : vector<16xi32>
    %shift_right_logical3A_394 = arith.constant 12 : i32
    %shift_right_logical3A_395 = vector.broadcast %shift_right_logical3A_394 : i32 to vector<16xi32>
    %shift_right_logical3A_396 = arith.shrui %add3A_393, %shift_right_logical3A_395 : vector<16xi32>
    %shift_left3A_397 = arith.constant 12 : i32
    %shift_left3A_398 = vector.broadcast %shift_left3A_397 : i32 to vector<16xi32>
    %shift_left3A_399 = arith.shli %shift_right_logical3A_396, %shift_left3A_398 : vector<16xi32>
    %sub3A_400 = arith.subi %add3A_393, %shift_left3A_399 : vector<16xi32>
    %mul3A_401 = arith.constant 3 : i32
    %mul3A_402 = vector.broadcast %mul3A_401 : i32 to vector<16xi32>
    %mul3A_403 = arith.muli %sub3A_400, %mul3A_402 : vector<16xi32>
    %add3A_404 = arith.constant 2 : i32
    %add3A_405 = vector.broadcast %add3A_404 : i32 to vector<16xi32>
    %add3A_406 = arith.addi %mul3A_403, %add3A_405 : vector<16xi32>
    %gather3A_407 = tpu.vector_load_idx %arg5[%add3A_406] : memref<12288xi32, #tpu.memory_space<vmem>>[vector<16xi32>], vector<16xi32>,
    %shift_left3A_408 = arith.constant 12 : i32
    %shift_left3A_409 = vector.broadcast %shift_left3A_408 : i32 to vector<16xi32>
    %shift_left3A_410 = arith.shli %shift_right_logical3A_396, %shift_left3A_409 : vector<16xi32>
    %add3A_411 = arith.addi %gather3A_407, %shift_left3A_410 : vector<16xi32>
    %swap3A_412 = arith.constant 5 : i32
    %swap3A_413 = arith.index_cast %swap3A_412 : i32 to index
    %swap3A_414 = arith.constant 0 : index
    %swap3A_415 = tpu.vector_load %arg6[%swap3A_413, %swap3A_414] {strides = array<i32>} : memref<8x48xi32, #tpu.memory_space<vmem>>, vector<16xi32>,
    tpu.vector_store %arg6[%swap3A_413, %swap3A_414], %add3A_411 {strides = array<i32>} : memref<8x48xi32, #tpu.memory_space<vmem>>, vector<16xi32>,
    %add3A_416 = arith.constant 256 : i32
    %add3A_417 = arith.addi %mul3A_4, %add3A_416 : i32
    %add3A_418 = vector.broadcast %add3A_417 : i32 to vector<16xi32>
    %add3A_419 = arith.addi %iota3A, %add3A_418 : vector<16xi32>
    %shift_right_logical3A_420 = arith.constant 12 : i32
    %shift_right_logical3A_421 = vector.broadcast %shift_right_logical3A_420 : i32 to vector<16xi32>
    %shift_right_logical3A_422 = arith.shrui %add3A_419, %shift_right_logical3A_421 : vector<16xi32>
    %shift_left3A_423 = arith.constant 12 : i32
    %shift_left3A_424 = vector.broadcast %shift_left3A_423 : i32 to vector<16xi32>
    %shift_left3A_425 = arith.shli %shift_right_logical3A_422, %shift_left3A_424 : vector<16xi32>
    %sub3A_426 = arith.subi %add3A_419, %shift_left3A_425 : vector<16xi32>
    %mul3A_427 = arith.constant 3 : i32
    %mul3A_428 = vector.broadcast %mul3A_427 : i32 to vector<16xi32>
    %mul3A_429 = arith.muli %sub3A_426, %mul3A_428 : vector<16xi32>
    %add3A_430 = arith.constant 2 : i32
    %add3A_431 = vector.broadcast %add3A_430 : i32 to vector<16xi32>
    %add3A_432 = arith.addi %mul3A_429, %add3A_431 : vector<16xi32>
    %gather3A_433 = tpu.vector_load_idx %arg5[%add3A_432] : memref<12288xi32, #tpu.memory_space<vmem>>[vector<16xi32>], vector<16xi32>,
    %shift_left3A_434 = arith.constant 12 : i32
    %shift_left3A_435 = vector.broadcast %shift_left3A_434 : i32 to vector<16xi32>
    %shift_left3A_436 = arith.shli %shift_right_logical3A_422, %shift_left3A_435 : vector<16xi32>
    %add3A_437 = arith.addi %gather3A_433, %shift_left3A_436 : vector<16xi32>
    %swap3A_438 = arith.constant 5 : i32
    %swap3A_439 = arith.index_cast %swap3A_438 : i32 to index
    %swap3A_440 = arith.constant 16 : index
    %swap3A_441 = tpu.vector_load %arg6[%swap3A_439, %swap3A_440] {strides = array<i32>} : memref<8x48xi32, #tpu.memory_space<vmem>>, vector<16xi32>,
    tpu.vector_store %arg6[%swap3A_439, %swap3A_440], %add3A_437 {strides = array<i32>} : memref<8x48xi32, #tpu.memory_space<vmem>>, vector<16xi32>,
    %add3A_442 = arith.constant 272 : i32
    %add3A_443 = arith.addi %mul3A_4, %add3A_442 : i32
    %add3A_444 = vector.broadcast %add3A_443 : i32 to vector<16xi32>
    %add3A_445 = arith.addi %iota3A, %add3A_444 : vector<16xi32>
    %shift_right_logical3A_446 = arith.constant 12 : i32
    %shift_right_logical3A_447 = vector.broadcast %shift_right_logical3A_446 : i32 to vector<16xi32>
    %shift_right_logical3A_448 = arith.shrui %add3A_445, %shift_right_logical3A_447 : vector<16xi32>
    %shift_left3A_449 = arith.constant 12 : i32
    %shift_left3A_450 = vector.broadcast %shift_left3A_449 : i32 to vector<16xi32>
    %shift_left3A_451 = arith.shli %shift_right_logical3A_448, %shift_left3A_450 : vector<16xi32>
    %sub3A_452 = arith.subi %add3A_445, %shift_left3A_451 : vector<16xi32>
    %mul3A_453 = arith.constant 3 : i32
    %mul3A_454 = vector.broadcast %mul3A_453 : i32 to vector<16xi32>
    %mul3A_455 = arith.muli %sub3A_452, %mul3A_454 : vector<16xi32>
    %add3A_456 = arith.constant 2 : i32
    %add3A_457 = vector.broadcast %add3A_456 : i32 to vector<16xi32>
    %add3A_458 = arith.addi %mul3A_455, %add3A_457 : vector<16xi32>
    %gather3A_459 = tpu.vector_load_idx %arg5[%add3A_458] : memref<12288xi32, #tpu.memory_space<vmem>>[vector<16xi32>], vector<16xi32>,
    %shift_left3A_460 = arith.constant 12 : i32
    %shift_left3A_461 = vector.broadcast %shift_left3A_460 : i32 to vector<16xi32>
    %shift_left3A_462 = arith.shli %shift_right_logical3A_448, %shift_left3A_461 : vector<16xi32>
    %add3A_463 = arith.addi %gather3A_459, %shift_left3A_462 : vector<16xi32>
    %swap3A_464 = arith.constant 5 : i32
    %swap3A_465 = arith.index_cast %swap3A_464 : i32 to index
    %swap3A_466 = arith.constant 32 : index
    %swap3A_467 = tpu.vector_load %arg6[%swap3A_465, %swap3A_466] {strides = array<i32>} : memref<8x48xi32, #tpu.memory_space<vmem>>, vector<16xi32>,
    tpu.vector_store %arg6[%swap3A_465, %swap3A_466], %add3A_463 {strides = array<i32>} : memref<8x48xi32, #tpu.memory_space<vmem>>, vector<16xi32>,
    %add3A_468 = arith.constant 288 : i32
    %add3A_469 = arith.addi %mul3A_4, %add3A_468 : i32
    %add3A_470 = vector.broadcast %add3A_469 : i32 to vector<16xi32>
    %add3A_471 = arith.addi %iota3A, %add3A_470 : vector<16xi32>
    %shift_right_logical3A_472 = arith.constant 12 : i32
    %shift_right_logical3A_473 = vector.broadcast %shift_right_logical3A_472 : i32 to vector<16xi32>
    %shift_right_logical3A_474 = arith.shrui %add3A_471, %shift_right_logical3A_473 : vector<16xi32>
    %shift_left3A_475 = arith.constant 12 : i32
    %shift_left3A_476 = vector.broadcast %shift_left3A_475 : i32 to vector<16xi32>
    %shift_left3A_477 = arith.shli %shift_right_logical3A_474, %shift_left3A_476 : vector<16xi32>
    %sub3A_478 = arith.subi %add3A_471, %shift_left3A_477 : vector<16xi32>
    %mul3A_479 = arith.constant 3 : i32
    %mul3A_480 = vector.broadcast %mul3A_479 : i32 to vector<16xi32>
    %mul3A_481 = arith.muli %sub3A_478, %mul3A_480 : vector<16xi32>
    %add3A_482 = arith.constant 2 : i32
    %add3A_483 = vector.broadcast %add3A_482 : i32 to vector<16xi32>
    %add3A_484 = arith.addi %mul3A_481, %add3A_483 : vector<16xi32>
    %gather3A_485 = tpu.vector_load_idx %arg5[%add3A_484] : memref<12288xi32, #tpu.memory_space<vmem>>[vector<16xi32>], vector<16xi32>,
    %shift_left3A_486 = arith.constant 12 : i32
    %shift_left3A_487 = vector.broadcast %shift_left3A_486 : i32 to vector<16xi32>
    %shift_left3A_488 = arith.shli %shift_right_logical3A_474, %shift_left3A_487 : vector<16xi32>
    %add3A_489 = arith.addi %gather3A_485, %shift_left3A_488 : vector<16xi32>
    %swap3A_490 = arith.constant 6 : i32
    %swap3A_491 = arith.index_cast %swap3A_490 : i32 to index
    %swap3A_492 = arith.constant 0 : index
    %swap3A_493 = tpu.vector_load %arg6[%swap3A_491, %swap3A_492] {strides = array<i32>} : memref<8x48xi32, #tpu.memory_space<vmem>>, vector<16xi32>,
    tpu.vector_store %arg6[%swap3A_491, %swap3A_492], %add3A_489 {strides = array<i32>} : memref<8x48xi32, #tpu.memory_space<vmem>>, vector<16xi32>,
    %add3A_494 = arith.constant 304 : i32
    %add3A_495 = arith.addi %mul3A_4, %add3A_494 : i32
    %add3A_496 = vector.broadcast %add3A_495 : i32 to vector<16xi32>
    %add3A_497 = arith.addi %iota3A, %add3A_496 : vector<16xi32>
    %shift_right_logical3A_498 = arith.constant 12 : i32
    %shift_right_logical3A_499 = vector.broadcast %shift_right_logical3A_498 : i32 to vector<16xi32>
    %shift_right_logical3A_500 = arith.shrui %add3A_497, %shift_right_logical3A_499 : vector<16xi32>
    %shift_left3A_501 = arith.constant 12 : i32
    %shift_left3A_502 = vector.broadcast %shift_left3A_501 : i32 to vector<16xi32>
    %shift_left3A_503 = arith.shli %shift_right_logical3A_500, %shift_left3A_502 : vector<16xi32>
    %sub3A_504 = arith.subi %add3A_497, %shift_left3A_503 : vector<16xi32>
    %mul3A_505 = arith.constant 3 : i32
    %mul3A_506 = vector.broadcast %mul3A_505 : i32 to vector<16xi32>
    %mul3A_507 = arith.muli %sub3A_504, %mul3A_506 : vector<16xi32>
    %add3A_508 = arith.constant 2 : i32
    %add3A_509 = vector.broadcast %add3A_508 : i32 to vector<16xi32>
    %add3A_510 = arith.addi %mul3A_507, %add3A_509 : vector<16xi32>
    %gather3A_511 = tpu.vector_load_idx %arg5[%add3A_510] : memref<12288xi32, #tpu.memory_space<vmem>>[vector<16xi32>], vector<16xi32>,
    %shift_left3A_512 = arith.constant 12 : i32
    %shift_left3A_513 = vector.broadcast %shift_left3A_512 : i32 to vector<16xi32>
    %shift_left3A_514 = arith.shli %shift_right_logical3A_500, %shift_left3A_513 : vector<16xi32>
    %add3A_515 = arith.addi %gather3A_511, %shift_left3A_514 : vector<16xi32>
    %swap3A_516 = arith.constant 6 : i32
    %swap3A_517 = arith.index_cast %swap3A_516 : i32 to index
    %swap3A_518 = arith.constant 16 : index
    %swap3A_519 = tpu.vector_load %arg6[%swap3A_517, %swap3A_518] {strides = array<i32>} : memref<8x48xi32, #tpu.memory_space<vmem>>, vector<16xi32>,
    tpu.vector_store %arg6[%swap3A_517, %swap3A_518], %add3A_515 {strides = array<i32>} : memref<8x48xi32, #tpu.memory_space<vmem>>, vector<16xi32>,
    %add3A_520 = arith.constant 320 : i32
    %add3A_521 = arith.addi %mul3A_4, %add3A_520 : i32
    %add3A_522 = vector.broadcast %add3A_521 : i32 to vector<16xi32>
    %add3A_523 = arith.addi %iota3A, %add3A_522 : vector<16xi32>
    %shift_right_logical3A_524 = arith.constant 12 : i32
    %shift_right_logical3A_525 = vector.broadcast %shift_right_logical3A_524 : i32 to vector<16xi32>
    %shift_right_logical3A_526 = arith.shrui %add3A_523, %shift_right_logical3A_525 : vector<16xi32>
    %shift_left3A_527 = arith.constant 12 : i32
    %shift_left3A_528 = vector.broadcast %shift_left3A_527 : i32 to vector<16xi32>
    %shift_left3A_529 = arith.shli %shift_right_logical3A_526, %shift_left3A_528 : vector<16xi32>
    %sub3A_530 = arith.subi %add3A_523, %shift_left3A_529 : vector<16xi32>
    %mul3A_531 = arith.constant 3 : i32
    %mul3A_532 = vector.broadcast %mul3A_531 : i32 to vector<16xi32>
    %mul3A_533 = arith.muli %sub3A_530, %mul3A_532 : vector<16xi32>
    %add3A_534 = arith.constant 2 : i32
    %add3A_535 = vector.broadcast %add3A_534 : i32 to vector<16xi32>
    %add3A_536 = arith.addi %mul3A_533, %add3A_535 : vector<16xi32>
    %gather3A_537 = tpu.vector_load_idx %arg5[%add3A_536] : memref<12288xi32, #tpu.memory_space<vmem>>[vector<16xi32>], vector<16xi32>,
    %shift_left3A_538 = arith.constant 12 : i32
    %shift_left3A_539 = vector.broadcast %shift_left3A_538 : i32 to vector<16xi32>
    %shift_left3A_540 = arith.shli %shift_right_logical3A_526, %shift_left3A_539 : vector<16xi32>
    %add3A_541 = arith.addi %gather3A_537, %shift_left3A_540 : vector<16xi32>
    %swap3A_542 = arith.constant 6 : i32
    %swap3A_543 = arith.index_cast %swap3A_542 : i32 to index
    %swap3A_544 = arith.constant 32 : index
    %swap3A_545 = tpu.vector_load %arg6[%swap3A_543, %swap3A_544] {strides = array<i32>} : memref<8x48xi32, #tpu.memory_space<vmem>>, vector<16xi32>,
    tpu.vector_store %arg6[%swap3A_543, %swap3A_544], %add3A_541 {strides = array<i32>} : memref<8x48xi32, #tpu.memory_space<vmem>>, vector<16xi32>,
    %add3A_546 = arith.constant 336 : i32
    %add3A_547 = arith.addi %mul3A_4, %add3A_546 : i32
    %add3A_548 = vector.broadcast %add3A_547 : i32 to vector<16xi32>
    %add3A_549 = arith.addi %iota3A, %add3A_548 : vector<16xi32>
    %shift_right_logical3A_550 = arith.constant 12 : i32
    %shift_right_logical3A_551 = vector.broadcast %shift_right_logical3A_550 : i32 to vector<16xi32>
    %shift_right_logical3A_552 = arith.shrui %add3A_549, %shift_right_logical3A_551 : vector<16xi32>
    %shift_left3A_553 = arith.constant 12 : i32
    %shift_left3A_554 = vector.broadcast %shift_left3A_553 : i32 to vector<16xi32>
    %shift_left3A_555 = arith.shli %shift_right_logical3A_552, %shift_left3A_554 : vector<16xi32>
    %sub3A_556 = arith.subi %add3A_549, %shift_left3A_555 : vector<16xi32>
    %mul3A_557 = arith.constant 3 : i32
    %mul3A_558 = vector.broadcast %mul3A_557 : i32 to vector<16xi32>
    %mul3A_559 = arith.muli %sub3A_556, %mul3A_558 : vector<16xi32>
    %add3A_560 = arith.constant 2 : i32
    %add3A_561 = vector.broadcast %add3A_560 : i32 to vector<16xi32>
    %add3A_562 = arith.addi %mul3A_559, %add3A_561 : vector<16xi32>
    %gather3A_563 = tpu.vector_load_idx %arg5[%add3A_562] : memref<12288xi32, #tpu.memory_space<vmem>>[vector<16xi32>], vector<16xi32>,
    %shift_left3A_564 = arith.constant 12 : i32
    %shift_left3A_565 = vector.broadcast %shift_left3A_564 : i32 to vector<16xi32>
    %shift_left3A_566 = arith.shli %shift_right_logical3A_552, %shift_left3A_565 : vector<16xi32>
    %add3A_567 = arith.addi %gather3A_563, %shift_left3A_566 : vector<16xi32>
    %swap3A_568 = arith.constant 7 : i32
    %swap3A_569 = arith.index_cast %swap3A_568 : i32 to index
    %swap3A_570 = arith.constant 0 : index
    %swap3A_571 = tpu.vector_load %arg6[%swap3A_569, %swap3A_570] {strides = array<i32>} : memref<8x48xi32, #tpu.memory_space<vmem>>, vector<16xi32>,
    tpu.vector_store %arg6[%swap3A_569, %swap3A_570], %add3A_567 {strides = array<i32>} : memref<8x48xi32, #tpu.memory_space<vmem>>, vector<16xi32>,
    %add3A_572 = arith.constant 352 : i32
    %add3A_573 = arith.addi %mul3A_4, %add3A_572 : i32
    %add3A_574 = vector.broadcast %add3A_573 : i32 to vector<16xi32>
    %add3A_575 = arith.addi %iota3A, %add3A_574 : vector<16xi32>
    %shift_right_logical3A_576 = arith.constant 12 : i32
    %shift_right_logical3A_577 = vector.broadcast %shift_right_logical3A_576 : i32 to vector<16xi32>
    %shift_right_logical3A_578 = arith.shrui %add3A_575, %shift_right_logical3A_577 : vector<16xi32>
    %shift_left3A_579 = arith.constant 12 : i32
    %shift_left3A_580 = vector.broadcast %shift_left3A_579 : i32 to vector<16xi32>
    %shift_left3A_581 = arith.shli %shift_right_logical3A_578, %shift_left3A_580 : vector<16xi32>
    %sub3A_582 = arith.subi %add3A_575, %shift_left3A_581 : vector<16xi32>
    %mul3A_583 = arith.constant 3 : i32
    %mul3A_584 = vector.broadcast %mul3A_583 : i32 to vector<16xi32>
    %mul3A_585 = arith.muli %sub3A_582, %mul3A_584 : vector<16xi32>
    %add3A_586 = arith.constant 2 : i32
    %add3A_587 = vector.broadcast %add3A_586 : i32 to vector<16xi32>
    %add3A_588 = arith.addi %mul3A_585, %add3A_587 : vector<16xi32>
    %gather3A_589 = tpu.vector_load_idx %arg5[%add3A_588] : memref<12288xi32, #tpu.memory_space<vmem>>[vector<16xi32>], vector<16xi32>,
    %shift_left3A_590 = arith.constant 12 : i32
    %shift_left3A_591 = vector.broadcast %shift_left3A_590 : i32 to vector<16xi32>
    %shift_left3A_592 = arith.shli %shift_right_logical3A_578, %shift_left3A_591 : vector<16xi32>
    %add3A_593 = arith.addi %gather3A_589, %shift_left3A_592 : vector<16xi32>
    %swap3A_594 = arith.constant 7 : i32
    %swap3A_595 = arith.index_cast %swap3A_594 : i32 to index
    %swap3A_596 = arith.constant 16 : index
    %swap3A_597 = tpu.vector_load %arg6[%swap3A_595, %swap3A_596] {strides = array<i32>} : memref<8x48xi32, #tpu.memory_space<vmem>>, vector<16xi32>,
    tpu.vector_store %arg6[%swap3A_595, %swap3A_596], %add3A_593 {strides = array<i32>} : memref<8x48xi32, #tpu.memory_space<vmem>>, vector<16xi32>,
    %add3A_598 = arith.constant 368 : i32
    %add3A_599 = arith.addi %mul3A_4, %add3A_598 : i32
    %add3A_600 = vector.broadcast %add3A_599 : i32 to vector<16xi32>
    %add3A_601 = arith.addi %iota3A, %add3A_600 : vector<16xi32>
    %shift_right_logical3A_602 = arith.constant 12 : i32
    %shift_right_logical3A_603 = vector.broadcast %shift_right_logical3A_602 : i32 to vector<16xi32>
    %shift_right_logical3A_604 = arith.shrui %add3A_601, %shift_right_logical3A_603 : vector<16xi32>
    %shift_left3A_605 = arith.constant 12 : i32
    %shift_left3A_606 = vector.broadcast %shift_left3A_605 : i32 to vector<16xi32>
    %shift_left3A_607 = arith.shli %shift_right_logical3A_604, %shift_left3A_606 : vector<16xi32>
    %sub3A_608 = arith.subi %add3A_601, %shift_left3A_607 : vector<16xi32>
    %mul3A_609 = arith.constant 3 : i32
    %mul3A_610 = vector.broadcast %mul3A_609 : i32 to vector<16xi32>
    %mul3A_611 = arith.muli %sub3A_608, %mul3A_610 : vector<16xi32>
    %add3A_612 = arith.constant 2 : i32
    %add3A_613 = vector.broadcast %add3A_612 : i32 to vector<16xi32>
    %add3A_614 = arith.addi %mul3A_611, %add3A_613 : vector<16xi32>
    %gather3A_615 = tpu.vector_load_idx %arg5[%add3A_614] : memref<12288xi32, #tpu.memory_space<vmem>>[vector<16xi32>], vector<16xi32>,
    %shift_left3A_616 = arith.constant 12 : i32
    %shift_left3A_617 = vector.broadcast %shift_left3A_616 : i32 to vector<16xi32>
    %shift_left3A_618 = arith.shli %shift_right_logical3A_604, %shift_left3A_617 : vector<16xi32>
    %add3A_619 = arith.addi %gather3A_615, %shift_left3A_618 : vector<16xi32>
    %swap3A_620 = arith.constant 7 : i32
    %swap3A_621 = arith.index_cast %swap3A_620 : i32 to index
    %swap3A_622 = arith.constant 32 : index
    %swap3A_623 = tpu.vector_load %arg6[%swap3A_621, %swap3A_622] {strides = array<i32>} : memref<8x48xi32, #tpu.memory_space<vmem>>, vector<16xi32>,
    tpu.vector_store %arg6[%swap3A_621, %swap3A_622], %add3A_619 {strides = array<i32>} : memref<8x48xi32, #tpu.memory_space<vmem>>, vector<16xi32>,
    %dma_start3A = arith.constant 0 : i32
    %dma_start3A_624 = arith.constant 0 : i32
    %dma_start3A_625 = arith.constant 0 : i32
    %dma_start3A_626 = arith.constant 0 : i32
    %dma_start3A_627 = tpu.memref_slice %arg7[%dma_start3A_624, %dma_start3A_625, %dma_start3A_626] : memref<2x48x1024xi32, #tpu.memory_space<vmem>> -> memref<1x48x1024xi32, #tpu.memory_space<vmem>>
    %dma_start3A_628 = tpu.memref_squeeze %dma_start3A_627 : memref<1x48x1024xi32, #tpu.memory_space<vmem>> -> memref<48x1024xi32, #tpu.memory_space<vmem>>
    %dma_start3A_629 = arith.constant 0 : i32
    %dma_start3A_630 = tpu.memref_slice %arg6[%dma_start3A, %dma_start3A_629] : memref<8x48xi32, #tpu.memory_space<vmem>> -> memref<1x48xi32, #tpu.memory_space<vmem>>
    %dma_start3A_631 = tpu.memref_squeeze %dma_start3A_630 : memref<1x48xi32, #tpu.memory_space<vmem>> -> memref<48xi32, #tpu.memory_space<vmem>>
    %dma_start3A_632 = arith.constant 0 : i32
    %dma_start3A_633 = arith.constant 0 : i32
    %dma_start3A_634 = tpu.memref_slice %arg3[%dma_start3A_632, %dma_start3A_633] : memref<12288x1024xi32, #tpu.memory_space<hbm>> -> memref<12288x1024xi32, #tpu.memory_space<hbm>>
    tpu.enqueue_indirect_dma source(%dma_start3A_634 : memref<12288x1024xi32, #tpu.memory_space<hbm>>) target(%dma_start3A_628 : memref<48x1024xi32, #tpu.memory_space<vmem>>) offsets(%dma_start3A_631 : memref<48xi32, #tpu.memory_space<vmem>>) semaphore(%arg8 : memref<!tpu.dma_semaphore, #tpu.memory_space<semaphore_mem>>)
    %dma_wait3A = arith.constant 0 : i32
    %dma_wait3A_635 = arith.constant 0 : i32
    %dma_wait3A_636 = arith.constant 0 : i32
    %dma_wait3A_637 = arith.constant 0 : i32
    %dma_wait3A_638 = tpu.memref_slice %arg7[%dma_wait3A_635, %dma_wait3A_636, %dma_wait3A_637] : memref<2x48x1024xi32, #tpu.memory_space<vmem>> -> memref<1x48x1024xi32, #tpu.memory_space<vmem>>
    %dma_wait3A_639 = tpu.memref_squeeze %dma_wait3A_638 : memref<1x48x1024xi32, #tpu.memory_space<vmem>> -> memref<48x1024xi32, #tpu.memory_space<vmem>>
    %dma_wait3A_640 = arith.constant 0 : i32
    %dma_wait3A_641 = tpu.memref_slice %arg6[%dma_wait3A, %dma_wait3A_640] : memref<8x48xi32, #tpu.memory_space<vmem>> -> memref<1x48xi32, #tpu.memory_space<vmem>>
    %dma_wait3A_642 = tpu.memref_squeeze %dma_wait3A_641 : memref<1x48xi32, #tpu.memory_space<vmem>> -> memref<48xi32, #tpu.memory_space<vmem>>
    %dma_wait3A_643 = arith.constant 0 : i32
    %dma_wait3A_644 = arith.constant 0 : i32
    %dma_wait3A_645 = tpu.memref_slice %arg3[%dma_wait3A_643, %dma_wait3A_644] : memref<12288x1024xi32, #tpu.memory_space<hbm>> -> memref<12288x1024xi32, #tpu.memory_space<hbm>>
    tpu.wait_indirect_dma semaphore(%arg8 : memref<!tpu.dma_semaphore, #tpu.memory_space<semaphore_mem>>) src(%dma_wait3A_645 : memref<12288x1024xi32, #tpu.memory_space<hbm>>) dst(%dma_wait3A_639 : memref<48x1024xi32, #tpu.memory_space<vmem>>)
    %dma_start3A_646 = arith.constant 1 : i32
    %dma_start3A_647 = arith.constant 1 : i32
    %dma_start3A_648 = arith.constant 0 : i32
    %dma_start3A_649 = arith.constant 0 : i32
    %dma_start3A_650 = tpu.memref_slice %arg7[%dma_start3A_647, %dma_start3A_648, %dma_start3A_649] : memref<2x48x1024xi32, #tpu.memory_space<vmem>> -> memref<1x48x1024xi32, #tpu.memory_space<vmem>>
    %dma_start3A_651 = tpu.memref_squeeze %dma_start3A_650 : memref<1x48x1024xi32, #tpu.memory_space<vmem>> -> memref<48x1024xi32, #tpu.memory_space<vmem>>
    %dma_start3A_652 = arith.constant 0 : i32
    %dma_start3A_653 = tpu.memref_slice %arg6[%dma_start3A_646, %dma_start3A_652] : memref<8x48xi32, #tpu.memory_space<vmem>> -> memref<1x48xi32, #tpu.memory_space<vmem>>
    %dma_start3A_654 = tpu.memref_squeeze %dma_start3A_653 : memref<1x48xi32, #tpu.memory_space<vmem>> -> memref<48xi32, #tpu.memory_space<vmem>>
    %dma_start3A_655 = arith.constant 0 : i32
    %dma_start3A_656 = arith.constant 0 : i32
    %dma_start3A_657 = tpu.memref_slice %arg3[%dma_start3A_655, %dma_start3A_656] : memref<12288x1024xi32, #tpu.memory_space<hbm>> -> memref<12288x1024xi32, #tpu.memory_space<hbm>>
    tpu.enqueue_indirect_dma source(%dma_start3A_657 : memref<12288x1024xi32, #tpu.memory_space<hbm>>) target(%dma_start3A_651 : memref<48x1024xi32, #tpu.memory_space<vmem>>) offsets(%dma_start3A_654 : memref<48xi32, #tpu.memory_space<vmem>>) semaphore(%arg9 : memref<!tpu.dma_semaphore, #tpu.memory_space<semaphore_mem>>)
    %add3A_658 = arith.constant 0 : i32
    %add3A_659 = arith.addi %mul3A_4, %add3A_658 : i32
    %dma_start3A_660 = arith.constant 0 : i32
    %dma_start3A_661 = arith.constant 0 : i32
    %dma_start3A_662 = arith.constant 0 : i32
    %dma_start3A_663 = tpu.memref_slice %arg7[%dma_start3A_660, %dma_start3A_661, %dma_start3A_662] : memref<2x48x1024xi32, #tpu.memory_space<vmem>> -> memref<1x48x1024xi32, #tpu.memory_space<vmem>>
    %dma_start3A_664 = tpu.memref_squeeze %dma_start3A_663 : memref<1x48x1024xi32, #tpu.memory_space<vmem>> -> memref<48x1024xi32, #tpu.memory_space<vmem>>
    %dma_start3A_665 = arith.constant 0 : i32
    %dma_start3A_666 = tpu.memref_slice %arg4[%add3A_659, %dma_start3A_665] : memref<12288x1024xi32, #tpu.memory_space<hbm>> -> memref<48x1024xi32, #tpu.memory_space<hbm>>
    %dma_start3A_667 = arith.constant 0 : i32
    %dma_start3A_668 = tpu.memref_slice %arg4[%add3A_659, %dma_start3A_667] : memref<12288x1024xi32, #tpu.memory_space<hbm>> -> memref<48x1024xi32, #tpu.memory_space<hbm>>
    %dma_start3A_669 = arith.constant 0 : i32
    %dma_start3A_670 = arith.constant 0 : i32
    %dma_start3A_671 = tpu.memref_slice %arg7[%dma_start3A_660, %dma_start3A_669, %dma_start3A_670] : memref<2x48x1024xi32, #tpu.memory_space<vmem>> -> memref<1x48x1024xi32, #tpu.memory_space<vmem>>
    %dma_start3A_672 = tpu.memref_squeeze %dma_start3A_671 : memref<1x48x1024xi32, #tpu.memory_space<vmem>> -> memref<48x1024xi32, #tpu.memory_space<vmem>>
    tpu.enqueue_dma source(%dma_start3A_672 : memref<48x1024xi32, #tpu.memory_space<vmem>>) target(%dma_start3A_668 : memref<48x1024xi32, #tpu.memory_space<hbm>>) target_semaphore(%arg10 : memref<!tpu.dma_semaphore, #tpu.memory_space<semaphore_mem>>)
    %dma_wait3A_673 = arith.constant 1 : i32
    %dma_wait3A_674 = arith.constant 1 : i32
    %dma_wait3A_675 = arith.constant 0 : i32
    %dma_wait3A_676 = arith.constant 0 : i32
    %dma_wait3A_677 = tpu.memref_slice %arg7[%dma_wait3A_674, %dma_wait3A_675, %dma_wait3A_676] : memref<2x48x1024xi32, #tpu.memory_space<vmem>> -> memref<1x48x1024xi32, #tpu.memory_space<vmem>>
    %dma_wait3A_678 = tpu.memref_squeeze %dma_wait3A_677 : memref<1x48x1024xi32, #tpu.memory_space<vmem>> -> memref<48x1024xi32, #tpu.memory_space<vmem>>
    %dma_wait3A_679 = arith.constant 0 : i32
    %dma_wait3A_680 = tpu.memref_slice %arg6[%dma_wait3A_673, %dma_wait3A_679] : memref<8x48xi32, #tpu.memory_space<vmem>> -> memref<1x48xi32, #tpu.memory_space<vmem>>
    %dma_wait3A_681 = tpu.memref_squeeze %dma_wait3A_680 : memref<1x48xi32, #tpu.memory_space<vmem>> -> memref<48xi32, #tpu.memory_space<vmem>>
    %dma_wait3A_682 = arith.constant 0 : i32
    %dma_wait3A_683 = arith.constant 0 : i32
    %dma_wait3A_684 = tpu.memref_slice %arg3[%dma_wait3A_682, %dma_wait3A_683] : memref<12288x1024xi32, #tpu.memory_space<hbm>> -> memref<12288x1024xi32, #tpu.memory_space<hbm>>
    tpu.wait_indirect_dma semaphore(%arg9 : memref<!tpu.dma_semaphore, #tpu.memory_space<semaphore_mem>>) src(%dma_wait3A_684 : memref<12288x1024xi32, #tpu.memory_space<hbm>>) dst(%dma_wait3A_678 : memref<48x1024xi32, #tpu.memory_space<vmem>>)
    %dma_wait3A_685 = arith.constant 0 : i32
    %dma_wait3A_686 = arith.constant 0 : i32
    %dma_wait3A_687 = arith.constant 0 : i32
    %dma_wait3A_688 = tpu.memref_slice %arg7[%dma_wait3A_685, %dma_wait3A_686, %dma_wait3A_687] : memref<2x48x1024xi32, #tpu.memory_space<vmem>> -> memref<1x48x1024xi32, #tpu.memory_space<vmem>>
    %dma_wait3A_689 = tpu.memref_squeeze %dma_wait3A_688 : memref<1x48x1024xi32, #tpu.memory_space<vmem>> -> memref<48x1024xi32, #tpu.memory_space<vmem>>
    %dma_wait3A_690 = arith.constant 0 : i32
    %dma_wait3A_691 = tpu.memref_slice %arg4[%add3A_659, %dma_wait3A_690] : memref<12288x1024xi32, #tpu.memory_space<hbm>> -> memref<48x1024xi32, #tpu.memory_space<hbm>>
    %dma_wait3A_692 = arith.constant 0 : i32
    %dma_wait3A_693 = tpu.memref_slice %arg4[%add3A_659, %dma_wait3A_692] : memref<12288x1024xi32, #tpu.memory_space<hbm>> -> memref<48x1024xi32, #tpu.memory_space<hbm>>
    %dma_wait3A_694 = arith.constant 0 : i32
    %dma_wait3A_695 = arith.constant 0 : i32
    %dma_wait3A_696 = tpu.memref_slice %arg7[%dma_wait3A_685, %dma_wait3A_694, %dma_wait3A_695] : memref<2x48x1024xi32, #tpu.memory_space<vmem>> -> memref<1x48x1024xi32, #tpu.memory_space<vmem>>
    %dma_wait3A_697 = tpu.memref_squeeze %dma_wait3A_696 : memref<1x48x1024xi32, #tpu.memory_space<vmem>> -> memref<48x1024xi32, #tpu.memory_space<vmem>>
    tpu.wait_dma2 semaphore(%arg10 : memref<!tpu.dma_semaphore, #tpu.memory_space<semaphore_mem>>) src(%dma_wait3A_697 : memref<48x1024xi32, #tpu.memory_space<vmem>>) dst(%dma_wait3A_693 : memref<48x1024xi32, #tpu.memory_space<hbm>>)
    %dma_start3A_698 = arith.constant 2 : i32
    %dma_start3A_699 = arith.constant 0 : i32
    %dma_start3A_700 = arith.constant 0 : i32
    %dma_start3A_701 = arith.constant 0 : i32
    %dma_start3A_702 = tpu.memref_slice %arg7[%dma_start3A_699, %dma_start3A_700, %dma_start3A_701] : memref<2x48x1024xi32, #tpu.memory_space<vmem>> -> memref<1x48x1024xi32, #tpu.memory_space<vmem>>
    %dma_start3A_703 = tpu.memref_squeeze %dma_start3A_702 : memref<1x48x1024xi32, #tpu.memory_space<vmem>> -> memref<48x1024xi32, #tpu.memory_space<vmem>>
    %dma_start3A_704 = arith.constant 0 : i32
    %dma_start3A_705 = tpu.memref_slice %arg6[%dma_start3A_698, %dma_start3A_704] : memref<8x48xi32, #tpu.memory_space<vmem>> -> memref<1x48xi32, #tpu.memory_space<vmem>>
    %dma_start3A_706 = tpu.memref_squeeze %dma_start3A_705 : memref<1x48xi32, #tpu.memory_space<vmem>> -> memref<48xi32, #tpu.memory_space<vmem>>
    %dma_start3A_707 = arith.constant 0 : i32
    %dma_start3A_708 = arith.constant 0 : i32
    %dma_start3A_709 = tpu.memref_slice %arg3[%dma_start3A_707, %dma_start3A_708] : memref<12288x1024xi32, #tpu.memory_space<hbm>> -> memref<12288x1024xi32, #tpu.memory_space<hbm>>
    tpu.enqueue_indirect_dma source(%dma_start3A_709 : memref<12288x1024xi32, #tpu.memory_space<hbm>>) target(%dma_start3A_703 : memref<48x1024xi32, #tpu.memory_space<vmem>>) offsets(%dma_start3A_706 : memref<48xi32, #tpu.memory_space<vmem>>) semaphore(%arg8 : memref<!tpu.dma_semaphore, #tpu.memory_space<semaphore_mem>>)
    %add3A_710 = arith.constant 48 : i32
    %add3A_711 = arith.addi %mul3A_4, %add3A_710 : i32
    %dma_start3A_712 = arith.constant 1 : i32
    %dma_start3A_713 = arith.constant 0 : i32
    %dma_start3A_714 = arith.constant 0 : i32
    %dma_start3A_715 = tpu.memref_slice %arg7[%dma_start3A_712, %dma_start3A_713, %dma_start3A_714] : memref<2x48x1024xi32, #tpu.memory_space<vmem>> -> memref<1x48x1024xi32, #tpu.memory_space<vmem>>
    %dma_start3A_716 = tpu.memref_squeeze %dma_start3A_715 : memref<1x48x1024xi32, #tpu.memory_space<vmem>> -> memref<48x1024xi32, #tpu.memory_space<vmem>>
    %dma_start3A_717 = arith.constant 0 : i32
    %dma_start3A_718 = tpu.memref_slice %arg4[%add3A_711, %dma_start3A_717] : memref<12288x1024xi32, #tpu.memory_space<hbm>> -> memref<48x1024xi32, #tpu.memory_space<hbm>>
    %dma_start3A_719 = arith.constant 0 : i32
    %dma_start3A_720 = tpu.memref_slice %arg4[%add3A_711, %dma_start3A_719] : memref<12288x1024xi32, #tpu.memory_space<hbm>> -> memref<48x1024xi32, #tpu.memory_space<hbm>>
    %dma_start3A_721 = arith.constant 0 : i32
    %dma_start3A_722 = arith.constant 0 : i32
    %dma_start3A_723 = tpu.memref_slice %arg7[%dma_start3A_712, %dma_start3A_721, %dma_start3A_722] : memref<2x48x1024xi32, #tpu.memory_space<vmem>> -> memref<1x48x1024xi32, #tpu.memory_space<vmem>>
    %dma_start3A_724 = tpu.memref_squeeze %dma_start3A_723 : memref<1x48x1024xi32, #tpu.memory_space<vmem>> -> memref<48x1024xi32, #tpu.memory_space<vmem>>
    tpu.enqueue_dma source(%dma_start3A_724 : memref<48x1024xi32, #tpu.memory_space<vmem>>) target(%dma_start3A_720 : memref<48x1024xi32, #tpu.memory_space<hbm>>) target_semaphore(%arg11 : memref<!tpu.dma_semaphore, #tpu.memory_space<semaphore_mem>>)
    %dma_wait3A_725 = arith.constant 2 : i32
    %dma_wait3A_726 = arith.constant 0 : i32
    %dma_wait3A_727 = arith.constant 0 : i32
    %dma_wait3A_728 = arith.constant 0 : i32
    %dma_wait3A_729 = tpu.memref_slice %arg7[%dma_wait3A_726, %dma_wait3A_727, %dma_wait3A_728] : memref<2x48x1024xi32, #tpu.memory_space<vmem>> -> memref<1x48x1024xi32, #tpu.memory_space<vmem>>
    %dma_wait3A_730 = tpu.memref_squeeze %dma_wait3A_729 : memref<1x48x1024xi32, #tpu.memory_space<vmem>> -> memref<48x1024xi32, #tpu.memory_space<vmem>>
    %dma_wait3A_731 = arith.constant 0 : i32
    %dma_wait3A_732 = tpu.memref_slice %arg6[%dma_wait3A_725, %dma_wait3A_731] : memref<8x48xi32, #tpu.memory_space<vmem>> -> memref<1x48xi32, #tpu.memory_space<vmem>>
    %dma_wait3A_733 = tpu.memref_squeeze %dma_wait3A_732 : memref<1x48xi32, #tpu.memory_space<vmem>> -> memref<48xi32, #tpu.memory_space<vmem>>
    %dma_wait3A_734 = arith.constant 0 : i32
    %dma_wait3A_735 = arith.constant 0 : i32
    %dma_wait3A_736 = tpu.memref_slice %arg3[%dma_wait3A_734, %dma_wait3A_735] : memref<12288x1024xi32, #tpu.memory_space<hbm>> -> memref<12288x1024xi32, #tpu.memory_space<hbm>>
    tpu.wait_indirect_dma semaphore(%arg8 : memref<!tpu.dma_semaphore, #tpu.memory_space<semaphore_mem>>) src(%dma_wait3A_736 : memref<12288x1024xi32, #tpu.memory_space<hbm>>) dst(%dma_wait3A_730 : memref<48x1024xi32, #tpu.memory_space<vmem>>)
    %dma_wait3A_737 = arith.constant 1 : i32
    %dma_wait3A_738 = arith.constant 0 : i32
    %dma_wait3A_739 = arith.constant 0 : i32
    %dma_wait3A_740 = tpu.memref_slice %arg7[%dma_wait3A_737, %dma_wait3A_738, %dma_wait3A_739] : memref<2x48x1024xi32, #tpu.memory_space<vmem>> -> memref<1x48x1024xi32, #tpu.memory_space<vmem>>
    %dma_wait3A_741 = tpu.memref_squeeze %dma_wait3A_740 : memref<1x48x1024xi32, #tpu.memory_space<vmem>> -> memref<48x1024xi32, #tpu.memory_space<vmem>>
    %dma_wait3A_742 = arith.constant 0 : i32
    %dma_wait3A_743 = tpu.memref_slice %arg4[%add3A_711, %dma_wait3A_742] : memref<12288x1024xi32, #tpu.memory_space<hbm>> -> memref<48x1024xi32, #tpu.memory_space<hbm>>
    %dma_wait3A_744 = arith.constant 0 : i32
    %dma_wait3A_745 = tpu.memref_slice %arg4[%add3A_711, %dma_wait3A_744] : memref<12288x1024xi32, #tpu.memory_space<hbm>> -> memref<48x1024xi32, #tpu.memory_space<hbm>>
    %dma_wait3A_746 = arith.constant 0 : i32
    %dma_wait3A_747 = arith.constant 0 : i32
    %dma_wait3A_748 = tpu.memref_slice %arg7[%dma_wait3A_737, %dma_wait3A_746, %dma_wait3A_747] : memref<2x48x1024xi32, #tpu.memory_space<vmem>> -> memref<1x48x1024xi32, #tpu.memory_space<vmem>>
    %dma_wait3A_749 = tpu.memref_squeeze %dma_wait3A_748 : memref<1x48x1024xi32, #tpu.memory_space<vmem>> -> memref<48x1024xi32, #tpu.memory_space<vmem>>
    tpu.wait_dma2 semaphore(%arg11 : memref<!tpu.dma_semaphore, #tpu.memory_space<semaphore_mem>>) src(%dma_wait3A_749 : memref<48x1024xi32, #tpu.memory_space<vmem>>) dst(%dma_wait3A_745 : memref<48x1024xi32, #tpu.memory_space<hbm>>)
    %dma_start3A_750 = arith.constant 3 : i32
    %dma_start3A_751 = arith.constant 1 : i32
    %dma_start3A_752 = arith.constant 0 : i32
    %dma_start3A_753 = arith.constant 0 : i32
    %dma_start3A_754 = tpu.memref_slice %arg7[%dma_start3A_751, %dma_start3A_752, %dma_start3A_753] : memref<2x48x1024xi32, #tpu.memory_space<vmem>> -> memref<1x48x1024xi32, #tpu.memory_space<vmem>>
    %dma_start3A_755 = tpu.memref_squeeze %dma_start3A_754 : memref<1x48x1024xi32, #tpu.memory_space<vmem>> -> memref<48x1024xi32, #tpu.memory_space<vmem>>
    %dma_start3A_756 = arith.constant 0 : i32
    %dma_start3A_757 = tpu.memref_slice %arg6[%dma_start3A_750, %dma_start3A_756] : memref<8x48xi32, #tpu.memory_space<vmem>> -> memref<1x48xi32, #tpu.memory_space<vmem>>
    %dma_start3A_758 = tpu.memref_squeeze %dma_start3A_757 : memref<1x48xi32, #tpu.memory_space<vmem>> -> memref<48xi32, #tpu.memory_space<vmem>>
    %dma_start3A_759 = arith.constant 0 : i32
    %dma_start3A_760 = arith.constant 0 : i32
    %dma_start3A_761 = tpu.memref_slice %arg3[%dma_start3A_759, %dma_start3A_760] : memref<12288x1024xi32, #tpu.memory_space<hbm>> -> memref<12288x1024xi32, #tpu.memory_space<hbm>>
    tpu.enqueue_indirect_dma source(%dma_start3A_761 : memref<12288x1024xi32, #tpu.memory_space<hbm>>) target(%dma_start3A_755 : memref<48x1024xi32, #tpu.memory_space<vmem>>) offsets(%dma_start3A_758 : memref<48xi32, #tpu.memory_space<vmem>>) semaphore(%arg9 : memref<!tpu.dma_semaphore, #tpu.memory_space<semaphore_mem>>)
    %add3A_762 = arith.constant 96 : i32
    %add3A_763 = arith.addi %mul3A_4, %add3A_762 : i32
    %dma_start3A_764 = arith.constant 0 : i32
    %dma_start3A_765 = arith.constant 0 : i32
    %dma_start3A_766 = arith.constant 0 : i32
    %dma_start3A_767 = tpu.memref_slice %arg7[%dma_start3A_764, %dma_start3A_765, %dma_start3A_766] : memref<2x48x1024xi32, #tpu.memory_space<vmem>> -> memref<1x48x1024xi32, #tpu.memory_space<vmem>>
    %dma_start3A_768 = tpu.memref_squeeze %dma_start3A_767 : memref<1x48x1024xi32, #tpu.memory_space<vmem>> -> memref<48x1024xi32, #tpu.memory_space<vmem>>
    %dma_start3A_769 = arith.constant 0 : i32
    %dma_start3A_770 = tpu.memref_slice %arg4[%add3A_763, %dma_start3A_769] : memref<12288x1024xi32, #tpu.memory_space<hbm>> -> memref<48x1024xi32, #tpu.memory_space<hbm>>
    %dma_start3A_771 = arith.constant 0 : i32
    %dma_start3A_772 = tpu.memref_slice %arg4[%add3A_763, %dma_start3A_771] : memref<12288x1024xi32, #tpu.memory_space<hbm>> -> memref<48x1024xi32, #tpu.memory_space<hbm>>
    %dma_start3A_773 = arith.constant 0 : i32
    %dma_start3A_774 = arith.constant 0 : i32
    %dma_start3A_775 = tpu.memref_slice %arg7[%dma_start3A_764, %dma_start3A_773, %dma_start3A_774] : memref<2x48x1024xi32, #tpu.memory_space<vmem>> -> memref<1x48x1024xi32, #tpu.memory_space<vmem>>
    %dma_start3A_776 = tpu.memref_squeeze %dma_start3A_775 : memref<1x48x1024xi32, #tpu.memory_space<vmem>> -> memref<48x1024xi32, #tpu.memory_space<vmem>>
    tpu.enqueue_dma source(%dma_start3A_776 : memref<48x1024xi32, #tpu.memory_space<vmem>>) target(%dma_start3A_772 : memref<48x1024xi32, #tpu.memory_space<hbm>>) target_semaphore(%arg10 : memref<!tpu.dma_semaphore, #tpu.memory_space<semaphore_mem>>)
    %dma_wait3A_777 = arith.constant 3 : i32
    %dma_wait3A_778 = arith.constant 1 : i32
    %dma_wait3A_779 = arith.constant 0 : i32
    %dma_wait3A_780 = arith.constant 0 : i32
    %dma_wait3A_781 = tpu.memref_slice %arg7[%dma_wait3A_778, %dma_wait3A_779, %dma_wait3A_780] : memref<2x48x1024xi32, #tpu.memory_space<vmem>> -> memref<1x48x1024xi32, #tpu.memory_space<vmem>>
    %dma_wait3A_782 = tpu.memref_squeeze %dma_wait3A_781 : memref<1x48x1024xi32, #tpu.memory_space<vmem>> -> memref<48x1024xi32, #tpu.memory_space<vmem>>
    %dma_wait3A_783 = arith.constant 0 : i32
    %dma_wait3A_784 = tpu.memref_slice %arg6[%dma_wait3A_777, %dma_wait3A_783] : memref<8x48xi32, #tpu.memory_space<vmem>> -> memref<1x48xi32, #tpu.memory_space<vmem>>
    %dma_wait3A_785 = tpu.memref_squeeze %dma_wait3A_784 : memref<1x48xi32, #tpu.memory_space<vmem>> -> memref<48xi32, #tpu.memory_space<vmem>>
    %dma_wait3A_786 = arith.constant 0 : i32
    %dma_wait3A_787 = arith.constant 0 : i32
    %dma_wait3A_788 = tpu.memref_slice %arg3[%dma_wait3A_786, %dma_wait3A_787] : memref<12288x1024xi32, #tpu.memory_space<hbm>> -> memref<12288x1024xi32, #tpu.memory_space<hbm>>
    tpu.wait_indirect_dma semaphore(%arg9 : memref<!tpu.dma_semaphore, #tpu.memory_space<semaphore_mem>>) src(%dma_wait3A_788 : memref<12288x1024xi32, #tpu.memory_space<hbm>>) dst(%dma_wait3A_782 : memref<48x1024xi32, #tpu.memory_space<vmem>>)
    %dma_wait3A_789 = arith.constant 0 : i32
    %dma_wait3A_790 = arith.constant 0 : i32
    %dma_wait3A_791 = arith.constant 0 : i32
    %dma_wait3A_792 = tpu.memref_slice %arg7[%dma_wait3A_789, %dma_wait3A_790, %dma_wait3A_791] : memref<2x48x1024xi32, #tpu.memory_space<vmem>> -> memref<1x48x1024xi32, #tpu.memory_space<vmem>>
    %dma_wait3A_793 = tpu.memref_squeeze %dma_wait3A_792 : memref<1x48x1024xi32, #tpu.memory_space<vmem>> -> memref<48x1024xi32, #tpu.memory_space<vmem>>
    %dma_wait3A_794 = arith.constant 0 : i32
    %dma_wait3A_795 = tpu.memref_slice %arg4[%add3A_763, %dma_wait3A_794] : memref<12288x1024xi32, #tpu.memory_space<hbm>> -> memref<48x1024xi32, #tpu.memory_space<hbm>>
    %dma_wait3A_796 = arith.constant 0 : i32
    %dma_wait3A_797 = tpu.memref_slice %arg4[%add3A_763, %dma_wait3A_796] : memref<12288x1024xi32, #tpu.memory_space<hbm>> -> memref<48x1024xi32, #tpu.memory_space<hbm>>
    %dma_wait3A_798 = arith.constant 0 : i32
    %dma_wait3A_799 = arith.constant 0 : i32
    %dma_wait3A_800 = tpu.memref_slice %arg7[%dma_wait3A_789, %dma_wait3A_798, %dma_wait3A_799] : memref<2x48x1024xi32, #tpu.memory_space<vmem>> -> memref<1x48x1024xi32, #tpu.memory_space<vmem>>
    %dma_wait3A_801 = tpu.memref_squeeze %dma_wait3A_800 : memref<1x48x1024xi32, #tpu.memory_space<vmem>> -> memref<48x1024xi32, #tpu.memory_space<vmem>>
    tpu.wait_dma2 semaphore(%arg10 : memref<!tpu.dma_semaphore, #tpu.memory_space<semaphore_mem>>) src(%dma_wait3A_801 : memref<48x1024xi32, #tpu.memory_space<vmem>>) dst(%dma_wait3A_797 : memref<48x1024xi32, #tpu.memory_space<hbm>>)
    %dma_start3A_802 = arith.constant 4 : i32
    %dma_start3A_803 = arith.constant 0 : i32
    %dma_start3A_804 = arith.constant 0 : i32
    %dma_start3A_805 = arith.constant 0 : i32
    %dma_start3A_806 = tpu.memref_slice %arg7[%dma_start3A_803, %dma_start3A_804, %dma_start3A_805] : memref<2x48x1024xi32, #tpu.memory_space<vmem>> -> memref<1x48x1024xi32, #tpu.memory_space<vmem>>
    %dma_start3A_807 = tpu.memref_squeeze %dma_start3A_806 : memref<1x48x1024xi32, #tpu.memory_space<vmem>> -> memref<48x1024xi32, #tpu.memory_space<vmem>>
    %dma_start3A_808 = arith.constant 0 : i32
    %dma_start3A_809 = tpu.memref_slice %arg6[%dma_start3A_802, %dma_start3A_808] : memref<8x48xi32, #tpu.memory_space<vmem>> -> memref<1x48xi32, #tpu.memory_space<vmem>>
    %dma_start3A_810 = tpu.memref_squeeze %dma_start3A_809 : memref<1x48xi32, #tpu.memory_space<vmem>> -> memref<48xi32, #tpu.memory_space<vmem>>
    %dma_start3A_811 = arith.constant 0 : i32
    %dma_start3A_812 = arith.constant 0 : i32
    %dma_start3A_813 = tpu.memref_slice %arg3[%dma_start3A_811, %dma_start3A_812] : memref<12288x1024xi32, #tpu.memory_space<hbm>> -> memref<12288x1024xi32, #tpu.memory_space<hbm>>
    tpu.enqueue_indirect_dma source(%dma_start3A_813 : memref<12288x1024xi32, #tpu.memory_space<hbm>>) target(%dma_start3A_807 : memref<48x1024xi32, #tpu.memory_space<vmem>>) offsets(%dma_start3A_810 : memref<48xi32, #tpu.memory_space<vmem>>) semaphore(%arg8 : memref<!tpu.dma_semaphore, #tpu.memory_space<semaphore_mem>>)
    %add3A_814 = arith.constant 144 : i32
    %add3A_815 = arith.addi %mul3A_4, %add3A_814 : i32
    %dma_start3A_816 = arith.constant 1 : i32
    %dma_start3A_817 = arith.constant 0 : i32
    %dma_start3A_818 = arith.constant 0 : i32
    %dma_start3A_819 = tpu.memref_slice %arg7[%dma_start3A_816, %dma_start3A_817, %dma_start3A_818] : memref<2x48x1024xi32, #tpu.memory_space<vmem>> -> memref<1x48x1024xi32, #tpu.memory_space<vmem>>
    %dma_start3A_820 = tpu.memref_squeeze %dma_start3A_819 : memref<1x48x1024xi32, #tpu.memory_space<vmem>> -> memref<48x1024xi32, #tpu.memory_space<vmem>>
    %dma_start3A_821 = arith.constant 0 : i32
    %dma_start3A_822 = tpu.memref_slice %arg4[%add3A_815, %dma_start3A_821] : memref<12288x1024xi32, #tpu.memory_space<hbm>> -> memref<48x1024xi32, #tpu.memory_space<hbm>>
    %dma_start3A_823 = arith.constant 0 : i32
    %dma_start3A_824 = tpu.memref_slice %arg4[%add3A_815, %dma_start3A_823] : memref<12288x1024xi32, #tpu.memory_space<hbm>> -> memref<48x1024xi32, #tpu.memory_space<hbm>>
    %dma_start3A_825 = arith.constant 0 : i32
    %dma_start3A_826 = arith.constant 0 : i32
    %dma_start3A_827 = tpu.memref_slice %arg7[%dma_start3A_816, %dma_start3A_825, %dma_start3A_826] : memref<2x48x1024xi32, #tpu.memory_space<vmem>> -> memref<1x48x1024xi32, #tpu.memory_space<vmem>>
    %dma_start3A_828 = tpu.memref_squeeze %dma_start3A_827 : memref<1x48x1024xi32, #tpu.memory_space<vmem>> -> memref<48x1024xi32, #tpu.memory_space<vmem>>
    tpu.enqueue_dma source(%dma_start3A_828 : memref<48x1024xi32, #tpu.memory_space<vmem>>) target(%dma_start3A_824 : memref<48x1024xi32, #tpu.memory_space<hbm>>) target_semaphore(%arg11 : memref<!tpu.dma_semaphore, #tpu.memory_space<semaphore_mem>>)
    %dma_wait3A_829 = arith.constant 4 : i32
    %dma_wait3A_830 = arith.constant 0 : i32
    %dma_wait3A_831 = arith.constant 0 : i32
    %dma_wait3A_832 = arith.constant 0 : i32
    %dma_wait3A_833 = tpu.memref_slice %arg7[%dma_wait3A_830, %dma_wait3A_831, %dma_wait3A_832] : memref<2x48x1024xi32, #tpu.memory_space<vmem>> -> memref<1x48x1024xi32, #tpu.memory_space<vmem>>
    %dma_wait3A_834 = tpu.memref_squeeze %dma_wait3A_833 : memref<1x48x1024xi32, #tpu.memory_space<vmem>> -> memref<48x1024xi32, #tpu.memory_space<vmem>>
    %dma_wait3A_835 = arith.constant 0 : i32
    %dma_wait3A_836 = tpu.memref_slice %arg6[%dma_wait3A_829, %dma_wait3A_835] : memref<8x48xi32, #tpu.memory_space<vmem>> -> memref<1x48xi32, #tpu.memory_space<vmem>>
    %dma_wait3A_837 = tpu.memref_squeeze %dma_wait3A_836 : memref<1x48xi32, #tpu.memory_space<vmem>> -> memref<48xi32, #tpu.memory_space<vmem>>
    %dma_wait3A_838 = arith.constant 0 : i32
    %dma_wait3A_839 = arith.constant 0 : i32
    %dma_wait3A_840 = tpu.memref_slice %arg3[%dma_wait3A_838, %dma_wait3A_839] : memref<12288x1024xi32, #tpu.memory_space<hbm>> -> memref<12288x1024xi32, #tpu.memory_space<hbm>>
    tpu.wait_indirect_dma semaphore(%arg8 : memref<!tpu.dma_semaphore, #tpu.memory_space<semaphore_mem>>) src(%dma_wait3A_840 : memref<12288x1024xi32, #tpu.memory_space<hbm>>) dst(%dma_wait3A_834 : memref<48x1024xi32, #tpu.memory_space<vmem>>)
    %dma_wait3A_841 = arith.constant 1 : i32
    %dma_wait3A_842 = arith.constant 0 : i32
    %dma_wait3A_843 = arith.constant 0 : i32
    %dma_wait3A_844 = tpu.memref_slice %arg7[%dma_wait3A_841, %dma_wait3A_842, %dma_wait3A_843] : memref<2x48x1024xi32, #tpu.memory_space<vmem>> -> memref<1x48x1024xi32, #tpu.memory_space<vmem>>
    %dma_wait3A_845 = tpu.memref_squeeze %dma_wait3A_844 : memref<1x48x1024xi32, #tpu.memory_space<vmem>> -> memref<48x1024xi32, #tpu.memory_space<vmem>>
    %dma_wait3A_846 = arith.constant 0 : i32
    %dma_wait3A_847 = tpu.memref_slice %arg4[%add3A_815, %dma_wait3A_846] : memref<12288x1024xi32, #tpu.memory_space<hbm>> -> memref<48x1024xi32, #tpu.memory_space<hbm>>
    %dma_wait3A_848 = arith.constant 0 : i32
    %dma_wait3A_849 = tpu.memref_slice %arg4[%add3A_815, %dma_wait3A_848] : memref<12288x1024xi32, #tpu.memory_space<hbm>> -> memref<48x1024xi32, #tpu.memory_space<hbm>>
    %dma_wait3A_850 = arith.constant 0 : i32
    %dma_wait3A_851 = arith.constant 0 : i32
    %dma_wait3A_852 = tpu.memref_slice %arg7[%dma_wait3A_841, %dma_wait3A_850, %dma_wait3A_851] : memref<2x48x1024xi32, #tpu.memory_space<vmem>> -> memref<1x48x1024xi32, #tpu.memory_space<vmem>>
    %dma_wait3A_853 = tpu.memref_squeeze %dma_wait3A_852 : memref<1x48x1024xi32, #tpu.memory_space<vmem>> -> memref<48x1024xi32, #tpu.memory_space<vmem>>
    tpu.wait_dma2 semaphore(%arg11 : memref<!tpu.dma_semaphore, #tpu.memory_space<semaphore_mem>>) src(%dma_wait3A_853 : memref<48x1024xi32, #tpu.memory_space<vmem>>) dst(%dma_wait3A_849 : memref<48x1024xi32, #tpu.memory_space<hbm>>)
    %dma_start3A_854 = arith.constant 5 : i32
    %dma_start3A_855 = arith.constant 1 : i32
    %dma_start3A_856 = arith.constant 0 : i32
    %dma_start3A_857 = arith.constant 0 : i32
    %dma_start3A_858 = tpu.memref_slice %arg7[%dma_start3A_855, %dma_start3A_856, %dma_start3A_857] : memref<2x48x1024xi32, #tpu.memory_space<vmem>> -> memref<1x48x1024xi32, #tpu.memory_space<vmem>>
    %dma_start3A_859 = tpu.memref_squeeze %dma_start3A_858 : memref<1x48x1024xi32, #tpu.memory_space<vmem>> -> memref<48x1024xi32, #tpu.memory_space<vmem>>
    %dma_start3A_860 = arith.constant 0 : i32
    %dma_start3A_861 = tpu.memref_slice %arg6[%dma_start3A_854, %dma_start3A_860] : memref<8x48xi32, #tpu.memory_space<vmem>> -> memref<1x48xi32, #tpu.memory_space<vmem>>
    %dma_start3A_862 = tpu.memref_squeeze %dma_start3A_861 : memref<1x48xi32, #tpu.memory_space<vmem>> -> memref<48xi32, #tpu.memory_space<vmem>>
    %dma_start3A_863 = arith.constant 0 : i32
    %dma_start3A_864 = arith.constant 0 : i32
    %dma_start3A_865 = tpu.memref_slice %arg3[%dma_start3A_863, %dma_start3A_864] : memref<12288x1024xi32, #tpu.memory_space<hbm>> -> memref<12288x1024xi32, #tpu.memory_space<hbm>>
    tpu.enqueue_indirect_dma source(%dma_start3A_865 : memref<12288x1024xi32, #tpu.memory_space<hbm>>) target(%dma_start3A_859 : memref<48x1024xi32, #tpu.memory_space<vmem>>) offsets(%dma_start3A_862 : memref<48xi32, #tpu.memory_space<vmem>>) semaphore(%arg9 : memref<!tpu.dma_semaphore, #tpu.memory_space<semaphore_mem>>)
    %add3A_866 = arith.constant 192 : i32
    %add3A_867 = arith.addi %mul3A_4, %add3A_866 : i32
    %dma_start3A_868 = arith.constant 0 : i32
    %dma_start3A_869 = arith.constant 0 : i32
    %dma_start3A_870 = arith.constant 0 : i32
    %dma_start3A_871 = tpu.memref_slice %arg7[%dma_start3A_868, %dma_start3A_869, %dma_start3A_870] : memref<2x48x1024xi32, #tpu.memory_space<vmem>> -> memref<1x48x1024xi32, #tpu.memory_space<vmem>>
    %dma_start3A_872 = tpu.memref_squeeze %dma_start3A_871 : memref<1x48x1024xi32, #tpu.memory_space<vmem>> -> memref<48x1024xi32, #tpu.memory_space<vmem>>
    %dma_start3A_873 = arith.constant 0 : i32
    %dma_start3A_874 = tpu.memref_slice %arg4[%add3A_867, %dma_start3A_873] : memref<12288x1024xi32, #tpu.memory_space<hbm>> -> memref<48x1024xi32, #tpu.memory_space<hbm>>
    %dma_start3A_875 = arith.constant 0 : i32
    %dma_start3A_876 = tpu.memref_slice %arg4[%add3A_867, %dma_start3A_875] : memref<12288x1024xi32, #tpu.memory_space<hbm>> -> memref<48x1024xi32, #tpu.memory_space<hbm>>
    %dma_start3A_877 = arith.constant 0 : i32
    %dma_start3A_878 = arith.constant 0 : i32
    %dma_start3A_879 = tpu.memref_slice %arg7[%dma_start3A_868, %dma_start3A_877, %dma_start3A_878] : memref<2x48x1024xi32, #tpu.memory_space<vmem>> -> memref<1x48x1024xi32, #tpu.memory_space<vmem>>
    %dma_start3A_880 = tpu.memref_squeeze %dma_start3A_879 : memref<1x48x1024xi32, #tpu.memory_space<vmem>> -> memref<48x1024xi32, #tpu.memory_space<vmem>>
    tpu.enqueue_dma source(%dma_start3A_880 : memref<48x1024xi32, #tpu.memory_space<vmem>>) target(%dma_start3A_876 : memref<48x1024xi32, #tpu.memory_space<hbm>>) target_semaphore(%arg10 : memref<!tpu.dma_semaphore, #tpu.memory_space<semaphore_mem>>)
    %dma_wait3A_881 = arith.constant 5 : i32
    %dma_wait3A_882 = arith.constant 1 : i32
    %dma_wait3A_883 = arith.constant 0 : i32
    %dma_wait3A_884 = arith.constant 0 : i32
    %dma_wait3A_885 = tpu.memref_slice %arg7[%dma_wait3A_882, %dma_wait3A_883, %dma_wait3A_884] : memref<2x48x1024xi32, #tpu.memory_space<vmem>> -> memref<1x48x1024xi32, #tpu.memory_space<vmem>>
    %dma_wait3A_886 = tpu.memref_squeeze %dma_wait3A_885 : memref<1x48x1024xi32, #tpu.memory_space<vmem>> -> memref<48x1024xi32, #tpu.memory_space<vmem>>
    %dma_wait3A_887 = arith.constant 0 : i32
    %dma_wait3A_888 = tpu.memref_slice %arg6[%dma_wait3A_881, %dma_wait3A_887] : memref<8x48xi32, #tpu.memory_space<vmem>> -> memref<1x48xi32, #tpu.memory_space<vmem>>
    %dma_wait3A_889 = tpu.memref_squeeze %dma_wait3A_888 : memref<1x48xi32, #tpu.memory_space<vmem>> -> memref<48xi32, #tpu.memory_space<vmem>>
    %dma_wait3A_890 = arith.constant 0 : i32
    %dma_wait3A_891 = arith.constant 0 : i32
    %dma_wait3A_892 = tpu.memref_slice %arg3[%dma_wait3A_890, %dma_wait3A_891] : memref<12288x1024xi32, #tpu.memory_space<hbm>> -> memref<12288x1024xi32, #tpu.memory_space<hbm>>
    tpu.wait_indirect_dma semaphore(%arg9 : memref<!tpu.dma_semaphore, #tpu.memory_space<semaphore_mem>>) src(%dma_wait3A_892 : memref<12288x1024xi32, #tpu.memory_space<hbm>>) dst(%dma_wait3A_886 : memref<48x1024xi32, #tpu.memory_space<vmem>>)
    %dma_wait3A_893 = arith.constant 0 : i32
    %dma_wait3A_894 = arith.constant 0 : i32
    %dma_wait3A_895 = arith.constant 0 : i32
    %dma_wait3A_896 = tpu.memref_slice %arg7[%dma_wait3A_893, %dma_wait3A_894, %dma_wait3A_895] : memref<2x48x1024xi32, #tpu.memory_space<vmem>> -> memref<1x48x1024xi32, #tpu.memory_space<vmem>>
    %dma_wait3A_897 = tpu.memref_squeeze %dma_wait3A_896 : memref<1x48x1024xi32, #tpu.memory_space<vmem>> -> memref<48x1024xi32, #tpu.memory_space<vmem>>
    %dma_wait3A_898 = arith.constant 0 : i32
    %dma_wait3A_899 = tpu.memref_slice %arg4[%add3A_867, %dma_wait3A_898] : memref<12288x1024xi32, #tpu.memory_space<hbm>> -> memref<48x1024xi32, #tpu.memory_space<hbm>>
    %dma_wait3A_900 = arith.constant 0 : i32
    %dma_wait3A_901 = tpu.memref_slice %arg4[%add3A_867, %dma_wait3A_900] : memref<12288x1024xi32, #tpu.memory_space<hbm>> -> memref<48x1024xi32, #tpu.memory_space<hbm>>
    %dma_wait3A_902 = arith.constant 0 : i32
    %dma_wait3A_903 = arith.constant 0 : i32
    %dma_wait3A_904 = tpu.memref_slice %arg7[%dma_wait3A_893, %dma_wait3A_902, %dma_wait3A_903] : memref<2x48x1024xi32, #tpu.memory_space<vmem>> -> memref<1x48x1024xi32, #tpu.memory_space<vmem>>
    %dma_wait3A_905 = tpu.memref_squeeze %dma_wait3A_904 : memref<1x48x1024xi32, #tpu.memory_space<vmem>> -> memref<48x1024xi32, #tpu.memory_space<vmem>>
    tpu.wait_dma2 semaphore(%arg10 : memref<!tpu.dma_semaphore, #tpu.memory_space<semaphore_mem>>) src(%dma_wait3A_905 : memref<48x1024xi32, #tpu.memory_space<vmem>>) dst(%dma_wait3A_901 : memref<48x1024xi32, #tpu.memory_space<hbm>>)
    %dma_start3A_906 = arith.constant 6 : i32
    %dma_start3A_907 = arith.constant 0 : i32
    %dma_start3A_908 = arith.constant 0 : i32
    %dma_start3A_909 = arith.constant 0 : i32
    %dma_start3A_910 = tpu.memref_slice %arg7[%dma_start3A_907, %dma_start3A_908, %dma_start3A_909] : memref<2x48x1024xi32, #tpu.memory_space<vmem>> -> memref<1x48x1024xi32, #tpu.memory_space<vmem>>
    %dma_start3A_911 = tpu.memref_squeeze %dma_start3A_910 : memref<1x48x1024xi32, #tpu.memory_space<vmem>> -> memref<48x1024xi32, #tpu.memory_space<vmem>>
    %dma_start3A_912 = arith.constant 0 : i32
    %dma_start3A_913 = tpu.memref_slice %arg6[%dma_start3A_906, %dma_start3A_912] : memref<8x48xi32, #tpu.memory_space<vmem>> -> memref<1x48xi32, #tpu.memory_space<vmem>>
    %dma_start3A_914 = tpu.memref_squeeze %dma_start3A_913 : memref<1x48xi32, #tpu.memory_space<vmem>> -> memref<48xi32, #tpu.memory_space<vmem>>
    %dma_start3A_915 = arith.constant 0 : i32
    %dma_start3A_916 = arith.constant 0 : i32
    %dma_start3A_917 = tpu.memref_slice %arg3[%dma_start3A_915, %dma_start3A_916] : memref<12288x1024xi32, #tpu.memory_space<hbm>> -> memref<12288x1024xi32, #tpu.memory_space<hbm>>
    tpu.enqueue_indirect_dma source(%dma_start3A_917 : memref<12288x1024xi32, #tpu.memory_space<hbm>>) target(%dma_start3A_911 : memref<48x1024xi32, #tpu.memory_space<vmem>>) offsets(%dma_start3A_914 : memref<48xi32, #tpu.memory_space<vmem>>) semaphore(%arg8 : memref<!tpu.dma_semaphore, #tpu.memory_space<semaphore_mem>>)
    %add3A_918 = arith.constant 240 : i32
    %add3A_919 = arith.addi %mul3A_4, %add3A_918 : i32
    %dma_start3A_920 = arith.constant 1 : i32
    %dma_start3A_921 = arith.constant 0 : i32
    %dma_start3A_922 = arith.constant 0 : i32
    %dma_start3A_923 = tpu.memref_slice %arg7[%dma_start3A_920, %dma_start3A_921, %dma_start3A_922] : memref<2x48x1024xi32, #tpu.memory_space<vmem>> -> memref<1x48x1024xi32, #tpu.memory_space<vmem>>
    %dma_start3A_924 = tpu.memref_squeeze %dma_start3A_923 : memref<1x48x1024xi32, #tpu.memory_space<vmem>> -> memref<48x1024xi32, #tpu.memory_space<vmem>>
    %dma_start3A_925 = arith.constant 0 : i32
    %dma_start3A_926 = tpu.memref_slice %arg4[%add3A_919, %dma_start3A_925] : memref<12288x1024xi32, #tpu.memory_space<hbm>> -> memref<48x1024xi32, #tpu.memory_space<hbm>>
    %dma_start3A_927 = arith.constant 0 : i32
    %dma_start3A_928 = tpu.memref_slice %arg4[%add3A_919, %dma_start3A_927] : memref<12288x1024xi32, #tpu.memory_space<hbm>> -> memref<48x1024xi32, #tpu.memory_space<hbm>>
    %dma_start3A_929 = arith.constant 0 : i32
    %dma_start3A_930 = arith.constant 0 : i32
    %dma_start3A_931 = tpu.memref_slice %arg7[%dma_start3A_920, %dma_start3A_929, %dma_start3A_930] : memref<2x48x1024xi32, #tpu.memory_space<vmem>> -> memref<1x48x1024xi32, #tpu.memory_space<vmem>>
    %dma_start3A_932 = tpu.memref_squeeze %dma_start3A_931 : memref<1x48x1024xi32, #tpu.memory_space<vmem>> -> memref<48x1024xi32, #tpu.memory_space<vmem>>
    tpu.enqueue_dma source(%dma_start3A_932 : memref<48x1024xi32, #tpu.memory_space<vmem>>) target(%dma_start3A_928 : memref<48x1024xi32, #tpu.memory_space<hbm>>) target_semaphore(%arg11 : memref<!tpu.dma_semaphore, #tpu.memory_space<semaphore_mem>>)
    %dma_wait3A_933 = arith.constant 6 : i32
    %dma_wait3A_934 = arith.constant 0 : i32
    %dma_wait3A_935 = arith.constant 0 : i32
    %dma_wait3A_936 = arith.constant 0 : i32
    %dma_wait3A_937 = tpu.memref_slice %arg7[%dma_wait3A_934, %dma_wait3A_935, %dma_wait3A_936] : memref<2x48x1024xi32, #tpu.memory_space<vmem>> -> memref<1x48x1024xi32, #tpu.memory_space<vmem>>
    %dma_wait3A_938 = tpu.memref_squeeze %dma_wait3A_937 : memref<1x48x1024xi32, #tpu.memory_space<vmem>> -> memref<48x1024xi32, #tpu.memory_space<vmem>>
    %dma_wait3A_939 = arith.constant 0 : i32
    %dma_wait3A_940 = tpu.memref_slice %arg6[%dma_wait3A_933, %dma_wait3A_939] : memref<8x48xi32, #tpu.memory_space<vmem>> -> memref<1x48xi32, #tpu.memory_space<vmem>>
    %dma_wait3A_941 = tpu.memref_squeeze %dma_wait3A_940 : memref<1x48xi32, #tpu.memory_space<vmem>> -> memref<48xi32, #tpu.memory_space<vmem>>
    %dma_wait3A_942 = arith.constant 0 : i32
    %dma_wait3A_943 = arith.constant 0 : i32
    %dma_wait3A_944 = tpu.memref_slice %arg3[%dma_wait3A_942, %dma_wait3A_943] : memref<12288x1024xi32, #tpu.memory_space<hbm>> -> memref<12288x1024xi32, #tpu.memory_space<hbm>>
    tpu.wait_indirect_dma semaphore(%arg8 : memref<!tpu.dma_semaphore, #tpu.memory_space<semaphore_mem>>) src(%dma_wait3A_944 : memref<12288x1024xi32, #tpu.memory_space<hbm>>) dst(%dma_wait3A_938 : memref<48x1024xi32, #tpu.memory_space<vmem>>)
    %dma_wait3A_945 = arith.constant 1 : i32
    %dma_wait3A_946 = arith.constant 0 : i32
    %dma_wait3A_947 = arith.constant 0 : i32
    %dma_wait3A_948 = tpu.memref_slice %arg7[%dma_wait3A_945, %dma_wait3A_946, %dma_wait3A_947] : memref<2x48x1024xi32, #tpu.memory_space<vmem>> -> memref<1x48x1024xi32, #tpu.memory_space<vmem>>
    %dma_wait3A_949 = tpu.memref_squeeze %dma_wait3A_948 : memref<1x48x1024xi32, #tpu.memory_space<vmem>> -> memref<48x1024xi32, #tpu.memory_space<vmem>>
    %dma_wait3A_950 = arith.constant 0 : i32
    %dma_wait3A_951 = tpu.memref_slice %arg4[%add3A_919, %dma_wait3A_950] : memref<12288x1024xi32, #tpu.memory_space<hbm>> -> memref<48x1024xi32, #tpu.memory_space<hbm>>
    %dma_wait3A_952 = arith.constant 0 : i32
    %dma_wait3A_953 = tpu.memref_slice %arg4[%add3A_919, %dma_wait3A_952] : memref<12288x1024xi32, #tpu.memory_space<hbm>> -> memref<48x1024xi32, #tpu.memory_space<hbm>>
    %dma_wait3A_954 = arith.constant 0 : i32
    %dma_wait3A_955 = arith.constant 0 : i32
    %dma_wait3A_956 = tpu.memref_slice %arg7[%dma_wait3A_945, %dma_wait3A_954, %dma_wait3A_955] : memref<2x48x1024xi32, #tpu.memory_space<vmem>> -> memref<1x48x1024xi32, #tpu.memory_space<vmem>>
    %dma_wait3A_957 = tpu.memref_squeeze %dma_wait3A_956 : memref<1x48x1024xi32, #tpu.memory_space<vmem>> -> memref<48x1024xi32, #tpu.memory_space<vmem>>
    tpu.wait_dma2 semaphore(%arg11 : memref<!tpu.dma_semaphore, #tpu.memory_space<semaphore_mem>>) src(%dma_wait3A_957 : memref<48x1024xi32, #tpu.memory_space<vmem>>) dst(%dma_wait3A_953 : memref<48x1024xi32, #tpu.memory_space<hbm>>)
    %dma_start3A_958 = arith.constant 7 : i32
    %dma_start3A_959 = arith.constant 1 : i32
    %dma_start3A_960 = arith.constant 0 : i32
    %dma_start3A_961 = arith.constant 0 : i32
    %dma_start3A_962 = tpu.memref_slice %arg7[%dma_start3A_959, %dma_start3A_960, %dma_start3A_961] : memref<2x48x1024xi32, #tpu.memory_space<vmem>> -> memref<1x48x1024xi32, #tpu.memory_space<vmem>>
    %dma_start3A_963 = tpu.memref_squeeze %dma_start3A_962 : memref<1x48x1024xi32, #tpu.memory_space<vmem>> -> memref<48x1024xi32, #tpu.memory_space<vmem>>
    %dma_start3A_964 = arith.constant 0 : i32
    %dma_start3A_965 = tpu.memref_slice %arg6[%dma_start3A_958, %dma_start3A_964] : memref<8x48xi32, #tpu.memory_space<vmem>> -> memref<1x48xi32, #tpu.memory_space<vmem>>
    %dma_start3A_966 = tpu.memref_squeeze %dma_start3A_965 : memref<1x48xi32, #tpu.memory_space<vmem>> -> memref<48xi32, #tpu.memory_space<vmem>>
    %dma_start3A_967 = arith.constant 0 : i32
    %dma_start3A_968 = arith.constant 0 : i32
    %dma_start3A_969 = tpu.memref_slice %arg3[%dma_start3A_967, %dma_start3A_968] : memref<12288x1024xi32, #tpu.memory_space<hbm>> -> memref<12288x1024xi32, #tpu.memory_space<hbm>>
    tpu.enqueue_indirect_dma source(%dma_start3A_969 : memref<12288x1024xi32, #tpu.memory_space<hbm>>) target(%dma_start3A_963 : memref<48x1024xi32, #tpu.memory_space<vmem>>) offsets(%dma_start3A_966 : memref<48xi32, #tpu.memory_space<vmem>>) semaphore(%arg9 : memref<!tpu.dma_semaphore, #tpu.memory_space<semaphore_mem>>)
    %add3A_970 = arith.constant 288 : i32
    %add3A_971 = arith.addi %mul3A_4, %add3A_970 : i32
    %dma_start3A_972 = arith.constant 0 : i32
    %dma_start3A_973 = arith.constant 0 : i32
    %dma_start3A_974 = arith.constant 0 : i32
    %dma_start3A_975 = tpu.memref_slice %arg7[%dma_start3A_972, %dma_start3A_973, %dma_start3A_974] : memref<2x48x1024xi32, #tpu.memory_space<vmem>> -> memref<1x48x1024xi32, #tpu.memory_space<vmem>>
    %dma_start3A_976 = tpu.memref_squeeze %dma_start3A_975 : memref<1x48x1024xi32, #tpu.memory_space<vmem>> -> memref<48x1024xi32, #tpu.memory_space<vmem>>
    %dma_start3A_977 = arith.constant 0 : i32
    %dma_start3A_978 = tpu.memref_slice %arg4[%add3A_971, %dma_start3A_977] : memref<12288x1024xi32, #tpu.memory_space<hbm>> -> memref<48x1024xi32, #tpu.memory_space<hbm>>
    %dma_start3A_979 = arith.constant 0 : i32
    %dma_start3A_980 = tpu.memref_slice %arg4[%add3A_971, %dma_start3A_979] : memref<12288x1024xi32, #tpu.memory_space<hbm>> -> memref<48x1024xi32, #tpu.memory_space<hbm>>
    %dma_start3A_981 = arith.constant 0 : i32
    %dma_start3A_982 = arith.constant 0 : i32
    %dma_start3A_983 = tpu.memref_slice %arg7[%dma_start3A_972, %dma_start3A_981, %dma_start3A_982] : memref<2x48x1024xi32, #tpu.memory_space<vmem>> -> memref<1x48x1024xi32, #tpu.memory_space<vmem>>
    %dma_start3A_984 = tpu.memref_squeeze %dma_start3A_983 : memref<1x48x1024xi32, #tpu.memory_space<vmem>> -> memref<48x1024xi32, #tpu.memory_space<vmem>>
    tpu.enqueue_dma source(%dma_start3A_984 : memref<48x1024xi32, #tpu.memory_space<vmem>>) target(%dma_start3A_980 : memref<48x1024xi32, #tpu.memory_space<hbm>>) target_semaphore(%arg10 : memref<!tpu.dma_semaphore, #tpu.memory_space<semaphore_mem>>)
    %dma_wait3A_985 = arith.constant 7 : i32
    %dma_wait3A_986 = arith.constant 1 : i32
    %dma_wait3A_987 = arith.constant 0 : i32
    %dma_wait3A_988 = arith.constant 0 : i32
    %dma_wait3A_989 = tpu.memref_slice %arg7[%dma_wait3A_986, %dma_wait3A_987, %dma_wait3A_988] : memref<2x48x1024xi32, #tpu.memory_space<vmem>> -> memref<1x48x1024xi32, #tpu.memory_space<vmem>>
    %dma_wait3A_990 = tpu.memref_squeeze %dma_wait3A_989 : memref<1x48x1024xi32, #tpu.memory_space<vmem>> -> memref<48x1024xi32, #tpu.memory_space<vmem>>
    %dma_wait3A_991 = arith.constant 0 : i32
    %dma_wait3A_992 = tpu.memref_slice %arg6[%dma_wait3A_985, %dma_wait3A_991] : memref<8x48xi32, #tpu.memory_space<vmem>> -> memref<1x48xi32, #tpu.memory_space<vmem>>
    %dma_wait3A_993 = tpu.memref_squeeze %dma_wait3A_992 : memref<1x48xi32, #tpu.memory_space<vmem>> -> memref<48xi32, #tpu.memory_space<vmem>>
    %dma_wait3A_994 = arith.constant 0 : i32
    %dma_wait3A_995 = arith.constant 0 : i32
    %dma_wait3A_996 = tpu.memref_slice %arg3[%dma_wait3A_994, %dma_wait3A_995] : memref<12288x1024xi32, #tpu.memory_space<hbm>> -> memref<12288x1024xi32, #tpu.memory_space<hbm>>
    tpu.wait_indirect_dma semaphore(%arg9 : memref<!tpu.dma_semaphore, #tpu.memory_space<semaphore_mem>>) src(%dma_wait3A_996 : memref<12288x1024xi32, #tpu.memory_space<hbm>>) dst(%dma_wait3A_990 : memref<48x1024xi32, #tpu.memory_space<vmem>>)
    %add3A_997 = arith.constant 336 : i32
    %add3A_998 = arith.addi %mul3A_4, %add3A_997 : i32
    %dma_start3A_999 = arith.constant 1 : i32
    %dma_start3A_1000 = arith.constant 0 : i32
    %dma_start3A_1001 = arith.constant 0 : i32
    %dma_start3A_1002 = tpu.memref_slice %arg7[%dma_start3A_999, %dma_start3A_1000, %dma_start3A_1001] : memref<2x48x1024xi32, #tpu.memory_space<vmem>> -> memref<1x48x1024xi32, #tpu.memory_space<vmem>>
    %dma_start3A_1003 = tpu.memref_squeeze %dma_start3A_1002 : memref<1x48x1024xi32, #tpu.memory_space<vmem>> -> memref<48x1024xi32, #tpu.memory_space<vmem>>
    %dma_start3A_1004 = arith.constant 0 : i32
    %dma_start3A_1005 = tpu.memref_slice %arg4[%add3A_998, %dma_start3A_1004] : memref<12288x1024xi32, #tpu.memory_space<hbm>> -> memref<48x1024xi32, #tpu.memory_space<hbm>>
    %dma_start3A_1006 = arith.constant 0 : i32
    %dma_start3A_1007 = tpu.memref_slice %arg4[%add3A_998, %dma_start3A_1006] : memref<12288x1024xi32, #tpu.memory_space<hbm>> -> memref<48x1024xi32, #tpu.memory_space<hbm>>
    %dma_start3A_1008 = arith.constant 0 : i32
    %dma_start3A_1009 = arith.constant 0 : i32
    %dma_start3A_1010 = tpu.memref_slice %arg7[%dma_start3A_999, %dma_start3A_1008, %dma_start3A_1009] : memref<2x48x1024xi32, #tpu.memory_space<vmem>> -> memref<1x48x1024xi32, #tpu.memory_space<vmem>>
    %dma_start3A_1011 = tpu.memref_squeeze %dma_start3A_1010 : memref<1x48x1024xi32, #tpu.memory_space<vmem>> -> memref<48x1024xi32, #tpu.memory_space<vmem>>
    tpu.enqueue_dma source(%dma_start3A_1011 : memref<48x1024xi32, #tpu.memory_space<vmem>>) target(%dma_start3A_1007 : memref<48x1024xi32, #tpu.memory_space<hbm>>) target_semaphore(%arg11 : memref<!tpu.dma_semaphore, #tpu.memory_space<semaphore_mem>>)
    %dma_wait3A_1012 = arith.constant 0 : i32
    %dma_wait3A_1013 = arith.constant 0 : i32
    %dma_wait3A_1014 = arith.constant 0 : i32
    %dma_wait3A_1015 = tpu.memref_slice %arg7[%dma_wait3A_1012, %dma_wait3A_1013, %dma_wait3A_1014] : memref<2x48x1024xi32, #tpu.memory_space<vmem>> -> memref<1x48x1024xi32, #tpu.memory_space<vmem>>
    %dma_wait3A_1016 = tpu.memref_squeeze %dma_wait3A_1015 : memref<1x48x1024xi32, #tpu.memory_space<vmem>> -> memref<48x1024xi32, #tpu.memory_space<vmem>>
    %dma_wait3A_1017 = arith.constant 0 : i32
    %dma_wait3A_1018 = tpu.memref_slice %arg4[%add3A_971, %dma_wait3A_1017] : memref<12288x1024xi32, #tpu.memory_space<hbm>> -> memref<48x1024xi32, #tpu.memory_space<hbm>>
    %dma_wait3A_1019 = arith.constant 0 : i32
    %dma_wait3A_1020 = tpu.memref_slice %arg4[%add3A_971, %dma_wait3A_1019] : memref<12288x1024xi32, #tpu.memory_space<hbm>> -> memref<48x1024xi32, #tpu.memory_space<hbm>>
    %dma_wait3A_1021 = arith.constant 0 : i32
    %dma_wait3A_1022 = arith.constant 0 : i32
    %dma_wait3A_1023 = tpu.memref_slice %arg7[%dma_wait3A_1012, %dma_wait3A_1021, %dma_wait3A_1022] : memref<2x48x1024xi32, #tpu.memory_space<vmem>> -> memref<1x48x1024xi32, #tpu.memory_space<vmem>>
    %dma_wait3A_1024 = tpu.memref_squeeze %dma_wait3A_1023 : memref<1x48x1024xi32, #tpu.memory_space<vmem>> -> memref<48x1024xi32, #tpu.memory_space<vmem>>
    tpu.wait_dma2 semaphore(%arg10 : memref<!tpu.dma_semaphore, #tpu.memory_space<semaphore_mem>>) src(%dma_wait3A_1024 : memref<48x1024xi32, #tpu.memory_space<vmem>>) dst(%dma_wait3A_1020 : memref<48x1024xi32, #tpu.memory_space<hbm>>)
    %dma_wait3A_1025 = arith.constant 1 : i32
    %dma_wait3A_1026 = arith.constant 0 : i32
    %dma_wait3A_1027 = arith.constant 0 : i32
    %dma_wait3A_1028 = tpu.memref_slice %arg7[%dma_wait3A_1025, %dma_wait3A_1026, %dma_wait3A_1027] : memref<2x48x1024xi32, #tpu.memory_space<vmem>> -> memref<1x48x1024xi32, #tpu.memory_space<vmem>>
    %dma_wait3A_1029 = tpu.memref_squeeze %dma_wait3A_1028 : memref<1x48x1024xi32, #tpu.memory_space<vmem>> -> memref<48x1024xi32, #tpu.memory_space<vmem>>
    %dma_wait3A_1030 = arith.constant 0 : i32
    %dma_wait3A_1031 = tpu.memref_slice %arg4[%add3A_998, %dma_wait3A_1030] : memref<12288x1024xi32, #tpu.memory_space<hbm>> -> memref<48x1024xi32, #tpu.memory_space<hbm>>
    %dma_wait3A_1032 = arith.constant 0 : i32
    %dma_wait3A_1033 = tpu.memref_slice %arg4[%add3A_998, %dma_wait3A_1032] : memref<12288x1024xi32, #tpu.memory_space<hbm>> -> memref<48x1024xi32, #tpu.memory_space<hbm>>
    %dma_wait3A_1034 = arith.constant 0 : i32
    %dma_wait3A_1035 = arith.constant 0 : i32
    %dma_wait3A_1036 = tpu.memref_slice %arg7[%dma_wait3A_1025, %dma_wait3A_1034, %dma_wait3A_1035] : memref<2x48x1024xi32, #tpu.memory_space<vmem>> -> memref<1x48x1024xi32, #tpu.memory_space<vmem>>
    %dma_wait3A_1037 = tpu.memref_squeeze %dma_wait3A_1036 : memref<1x48x1024xi32, #tpu.memory_space<vmem>> -> memref<48x1024xi32, #tpu.memory_space<vmem>>
    tpu.wait_dma2 semaphore(%arg11 : memref<!tpu.dma_semaphore, #tpu.memory_space<semaphore_mem>>) src(%dma_wait3A_1037 : memref<48x1024xi32, #tpu.memory_space<vmem>>) dst(%dma_wait3A_1033 : memref<48x1024xi32, #tpu.memory_space<hbm>>)
    return
  }
}

</mosaic_0001>

<sc_bundles>
// kernel: kernel.3.cloned.1.call-start
scs
__scs_entry_jumppad:
0x0: {  	(pc) =	sbr.rel $0x88, $3  }
0x1: {  	(tag) =	ssettag $0x0;
	lr =	simm.s32 $0x1  }
0x2: {  	[smem:$0x3F9F] =	sst lr;
	_ =	strace $0xD0000000  }
0x3: {  	_ = 	snop  }
0x4: {  	_ = 	snop  }
0x5: {  	_ = 	snop  }
0x6: {  	_ = 	snop  }
0x7: {  	_ = 	snop  }
__scs_overlays_trampoline_lowered:
0x8: {  	[smem:$0x3FAE] =	sst s0  }
0x9: {  	[smem:$0x3FAF] =	sst s1  }
0xa: {  	[smem:$0x3FB0] =	sst s2  }
0xb: {  	[smem:$0x3FB1] =	sst s3  }
0xc: {  	[smem:$0x3FB2] =	sst s4  }
0xd: {  	[smem:$0x3FB3] =	sst s5  }
0xe: {  	[smem:$0x3FB4] =	sst s6  }
0xf: {  	[smem:$0x3FB5] =	sst s7  }
0x10: {  	[smem:$0x3FB6] =	sst s8  }
0x11: {  	[smem:$0x3FB7] =	sst s9;
	s0 =	simm.s32 @!p0 $0x0  }
0x12: {  	s1 =	sld [smem:$0x3F9D];
	s0 =	simm.s32 @p0 $0x1  }
0x13: {  	[smem:$0x3FB8] =	sst s0;
	s0 =	simm.s32 @!p1 $0x0  }
0x14: {  	s2 =	sld [smem:$0x3F9C];
	s0 =	simm.s32 @p1 $0x1  }
0x15: {  	[smem:$0x3FB9] =	sst s0;
	s0 =	simm.s32 @!p2 $0x0  }
0x16: {  	s3 =	sld [smem:$0x3FDB];
	s0 =	simm.s32 @p2 $0x1  }
0x17: {  	s4 =	simm.s32 $0x1BF5;
	[smem:$0x3FBB] =	sst s0  }
0x18: {  	s0 =	sld [smem:$0x3F9E];
	_ =	swait.ge [sflag:s4], $0x0  }
0x19: {  	s7 =	sld [smem:$0x3F9F]  }
0x1a: {  	s8 =	sadd.s32 $0xFFFFE003, lr  }
0x1b: {  	s9 =	sadd.s32 $0xFFFFFEF7, lr;
	s5 =	simm.s32 $0xFFFFFFFF;
	p2 =	slt.u32 s8, $0xFFFFF086  }
0x1c: {  	p1 =	slt.u32 s9, $0xF7A;
	s5 =	simm.s32 @!p2 $0x0  }
0x1d: {  	s5 =	simm.s32 @p1 $0x1;
	p0 =	seq.s32 s7, s2  }
0x1e: {  	s7 =	smul.u32 @!p0 $0xF7A, s2;
	p2 =	seq.s32 @!p0 s5, $0x0  }
0x1f: {  	s9 =	smul.u32 $0xF7A, s1;
	s8 =	simm.s32 @!p0 $0x1BF5;
	p2 =	por !p2, p0  }
0x20: {  	[sflag:s8] =	ssyncset.s32 @!p0 $0xFFFFF086;
	s6 =	sadd.s32 @!p0 s3, s7;
	s7 =	simm.s32 @!p0 $0x108  }
0x21: {  	s3 =	sadd.s32 s3, s9;
	s6 =	sadd.s32 @!p0 $0x88, s6;
	s7 =	simm.s32 @p2 $0x1082  }
0x22: {  	[simem:s7], [sflag:s8] =	dma.local @!p0 [hbm:s6], $0xF7A  }
0x23: {  	s9 =	sor.u32 $0xD0000000, s2;
	s6 =	simm.s32 $0x108;
	_ =	swait.ge @!p0 [sflag:s8], $0x0  }
0x24: {  	s3 =	sadd.s32 $0x88, s3;
	s6 =	simm.s32 @!p1 $0x1082;
	[sflag:s4] =	ssyncset.s32 $0xFFFFF086  }
0x25: {  	[simem:s6], [sflag:s4] =	dma.local [hbm:s3], $0xF7A  }
0x26: {  	[smem:$0x3F9F] =	sst s1;
	(tag) =	ssettag s2;
	_ =	strace s9  }
0x27: {  	s1 =	sld [smem:$0x3FAF]  }
0x28: {  	s2 =	sld [smem:$0x3FB0]  }
0x29: {  	s4 =	sld [smem:$0x3FB2]  }
0x2a: {  	p0 =	seq.s32 s5, $0x0;
	s5 =	sld [smem:$0x3FB3]  }
0x2b: {  	s6 =	sld [smem:$0x3FB4]  }
0x2c: {  	s7 =	sld [smem:$0x3FB5]  }
0x2d: {  	s3 =	simm.s32 $0x108;
	s8 =	sld [smem:$0x3FB6]  }
0x2e: {  	s3 =	simm.s32 @!p0 $0x1082;
	s9 =	sld [smem:$0x3FB7]  }
0x2f: {  	lr =	sadd.s32 s0, s3;
	s0 =	sld [smem:$0x3FAE]  }
0x30: {  	s3 =	sld [smem:$0x3FB1]  }
0x31: {  	[smem:$0x3FBA] =	sst s10  }
0x32: {  	s10 =	sld [smem:$0x3FB8];
	_ =	sdelay $0x3  }
0x33: {  	p0 =	seq.s32 s10, $0x1;
	s10 =	sld [smem:$0x3FBA];
	_ =	sdelay $0x3  }
0x34: {  	[smem:$0x3FBA] =	sst s10  }
0x35: {  	s10 =	sld [smem:$0x3FB9];
	_ =	sdelay $0x3  }
0x36: {  	p1 =	seq.s32 s10, $0x1;
	s10 =	sld [smem:$0x3FBA];
	_ =	sdelay $0x3  }
0x37: {  	[smem:$0x3FBA] =	sst s10  }
0x38: {  	s10 =	sld [smem:$0x3FBB]  }
0x39: {  	_ = 	snop;
	(pc) =	sbr.ind lr, $3  }
0x3a: {  	_ = 	snop  }
0x3b: {  	_ = 	snop  }
0x3c: {  	p2 =	seq.s32 s10, $0x1;
	s10 =	sld [smem:$0x3FBA]  }
0x3d: {  	_ =	shalt  }
0x3e: {  	_ =	shalt  }
0x3f: {  	_ =	shalt  }
0x40: {  	_ =	shalt  }
0x41: {  	_ =	shalt  }
0x42: {  	_ =	shalt  }
0x43: {  	_ =	shalt  }
0x44: {  	_ =	shalt  }
0x45: {  	_ =	shalt  }
0x46: {  	_ =	shalt  }
0x47: {  	_ =	shalt  }
0x48: {  	_ =	shalt  }
0x49: {  	_ =	shalt  }
0x4a: {  	_ =	shalt  }
0x4b: {  	_ =	shalt  }
0x4c: {  	_ =	shalt  }
0x4d: {  	_ =	shalt  }
0x4e: {  	_ =	shalt  }
0x4f: {  	_ =	shalt  }
0x50: {  	_ =	shalt  }
0x51: {  	_ =	shalt  }
0x52: {  	_ =	shalt  }
0x53: {  	_ =	shalt  }
0x54: {  	_ =	shalt  }
0x55: {  	_ =	shalt  }
0x56: {  	_ =	shalt  }
0x57: {  	_ =	shalt  }
0x58: {  	_ =	shalt  }
0x59: {  	_ =	shalt  }
0x5a: {  	_ =	shalt  }
0x5b: {  	_ =	shalt  }
0x5c: {  	_ =	shalt  }
0x5d: {  	_ =	shalt  }
0x5e: {  	_ =	shalt  }
0x5f: {  	_ =	shalt  }
0x60: {  	_ =	shalt  }
0x61: {  	_ =	shalt  }
0x62: {  	_ =	shalt  }
0x63: {  	_ =	shalt  }
0x64: {  	_ =	shalt  }
0x65: {  	_ =	shalt  }
0x66: {  	_ =	shalt  }
0x67: {  	_ =	shalt  }
0x68: {  	_ =	shalt  }
0x69: {  	_ =	shalt  }
0x6a: {  	_ =	shalt  }
0x6b: {  	_ =	shalt  }
0x6c: {  	_ =	shalt  }
0x6d: {  	_ =	shalt  }
0x6e: {  	_ =	shalt  }
0x6f: {  	_ =	shalt  }
0x70: {  	_ =	shalt  }
0x71: {  	_ =	shalt  }
0x72: {  	_ =	shalt  }
0x73: {  	_ =	shalt  }
0x74: {  	_ =	shalt  }
0x75: {  	_ =	shalt  }
0x76: {  	_ =	shalt  }
0x77: {  	_ =	shalt  }
0x78: {  	_ =	shalt  }
0x79: {  	_ =	shalt  }
0x7a: {  	_ =	shalt  }
0x7b: {  	_ =	shalt  }
0x7c: {  	_ =	shalt  }
0x7d: {  	_ =	shalt  }
0x7e: {  	_ =	shalt  }
0x7f: {  	_ =	shalt  }
0x80: {  	_ =	shalt  }
0x81: {  	_ =	shalt  }
0x82: {  	_ =	shalt  }
0x83: {  	_ =	shalt  }
0x84: {  	_ =	shalt  }
0x85: {  	_ =	shalt  }
0x86: {  	_ =	shalt  }
0x87: {  	_ =	shalt  }
.Lfunc_end0:
.L_simem_size_0:
called_computation_lowered:
.L_overlay_start_0:
0x88: {  	s2 =	sld [smem:$0x3FD9]  }
0x89: {  	s3 =	sld [smem:$0x3FFE];
	_ =	sdelay $0x1  }
0x8a: {  	s1 =	srdreg.scid  }
0x8b: {  	s0 =	sand.u32 $0x1, s1  }
0x8c: {  	s17 =	sshll.u32 s0, $0xA;
	s2 =	sadd.s32 s3, s2  }
0x8d: {  	s2 =	sadd.s32 s2, s17  }
0x8e: {  	[smem:$0x3FC6] =	sst s2  }
0x8f: {  	_ = 	snop  }
0x90: {  	s2 =	sld [smem:$0x3FD0];
	(tm) =	ssettm $0x1  }
0x91: {  	s18 =	sld [smem:$0x3FFB];
	_ =	sdelay $0x3  }
0x92: {  	_ =	strace s18  }
0x93: {  	s3 =	sld [smem:$0x3FFC];
	_ =	sdelay $0x3  }
0x94: {  	_ =	strace s3  }
0x95: {  	s3 =	sld [smem:$0x3FFD];
	_ =	sdelay $0x3  }
0x96: {  	_ =	strace s3  }
0x97: {  	_ =	strace $0x8FFFFFFF  }
0x98: {  	s19 =	sld [smem:$0x3FDB];
	_ =	sdelay $0x1  }
0x99: {  	s4 =	simm.s32 $_scs_section_size  }
0x9a: {  	s5 =	simm.s32 $_size__tile_overlayer_lowered;
	s6 =	simm.s32 $_tile_overlayer_lowered  }
0x9b: {  	s22 =	simm.s32 $0x1BFF;
	s21 =	sshll.u32 s6, $0x1;
	s3 =	sadd.s32 s4, s19  }
0x9c: {  	s7 =	simm.s32 $0x0;
	s20 =	sshll.u32 s5, $0x1;
	s5 =	sadd.s32 s21, s3  }
0x9d: {  	[timem:s7], [sflag:s22] =	dma.local [hbm:s5], s20  }
0x9e: {  	_ =	swait.ge [sflag:s22], s20  }
0x9f: {  	s4 =	ssub.s32 $0x0, s20;
	[sflag:s22] =	ssyncset.done $0x0  }
0xa0: {  	[sflag:s22] =	ssyncadd.s32 s4;
	_ =	sdelay $0x1  }
0xa1: {  	s23 =	simm.s32 $0x1B8B  }
0xa2: {  	_ =	swait.ge [sflag:s23], $0x1  }
0xa3: {  	[sflag:s23] =	ssyncset.done $0x0  }
0xa4: {  	s25 =	simm.s32 $0x1B8E;
	s24 =	sld [smem:$0x3FFE];
	[sflag:s23] =	ssyncadd.s32 $0xFFFFFFFF  }
0xa5: {  	s26 =	simm.s32 $execute0_lowered;
	[smem:$0x3FD2] =	sst s25  }
0xa6: {  	s5 =	sshll.u32 s26, $0x1;
	_ =	strace $0x80000046;
	[dreg:$0x1] =	wrdreg $0xFFFFFFFF  }
0xa7: {  	s28 =	simm.s32 $_size_execute0_lowered;
	s3 =	sadd.s32 s3, s5;
	[dreg:$0x0] =	wrdreg $0x0  }
0xa8: {  	s5 =	sshll.u32 s28, $0x1;
	[dreg:$0x2] =	wrdreg s3  }
0xa9: {  	[dreg:$0x3] =	wrdreg s5  }
0xaa: {  	[dreg:$0x4] =	wrdreg $0xC0  }
0xab: {  	_ =	task [dreg:s7], $0x5FFFF  }
0xac: {  	[dreg:$0x1] =	wrdreg $0xFFFFFFFF  }
0xad: {  	[dreg:$0x0] =	wrdreg $0x60  }
0xae: {  	[dreg:$0x2] =	wrdreg s24  }
0xaf: {  	[dreg:$0x3] =	wrdreg s2  }
0xb0: {  	[dreg:$0x4] =	wrdreg $0x9  }
0xb1: {  	_ =	task.clear_ibuf [dreg:s7], $0x5FFFF;
	_ =	strace $0x90000046  }
0xb2: {  	s29 =	simm.s32 $0x9;
	_ =	strace $0x80000048  }
0xb3: {  	_ =	swait.ge [sflag:s29], $0x1  }
0xb4: {  	[sflag:s29] =	ssyncadd.s32 $0xFFFFFFFF  }
0xb5: {  	_ =	strace $0x90000048  }
0xb6: {  	_ =	sfence  }
0xb7: {  	s30 =	sld [smem:$0x0];
	_ =	sdelay $0x2  }
0xb8: {  	s31 =	sshll.u32 s1, $0xD;
	s1 =	sshrl.u32 s1, $0x2  }
0xb9: {  	s3 =	sand.u32 $0x4000, s31;
	s1 =	sadd.s32 s1, s30  }
0xba: {  	s0 =	sor.u32 s3, s0;
	s1 =	sshll.u32 s1, $0x11  }
0xbb: {  	s0 =	sor.u32 s1, s0  }
0xbc: {  	s0 =	sadd.s32 $0x8F2B, s0  }
0xbd: {  	[sflag:s0] =	ssyncadd.remote.s32 $0x1  }
0xbe: {  	_ =	sfence.sel $0xFFFF  }
0xbf: {  	[dreg:$0x0] =	wrdreg $0xFFFFFFFF;
	(pc) =	sbr.abs _section_cstart, $3  }
0xc0: {  	[dreg:$0x1] =	wrdreg $0xFFFFFFFF  }
0xc1: {  	_ =	task.clear_ibuf [dreg:s7], $0x2FFFF;
	_ =	strace $0x9FFFFFFF  }
0xc2: {  	(tm) =	ssettm $0x7FFFFFFF  }
0xc3: {  	_ =	shalt  }
tec
execute0_lowered:
.L_overlay_start_1:
0x0: {  	(tag) =	ssettag $0x1  }
0x1: {  	s0 =	srdreg.scid;
	s1 =	stileid.u32  }
0x2: {  	s5 =	sand.u32 $0x1, s0;
	s25 =	sshll.u32 s1, $0x1  }
0x3: {  	s1 =	sor.u32 s5, s25  }
0x4: {  	s0 =	smul.u32 $0x180, s1;
	_ =	sdelay $0x1  }
0x5: {  	v50 =	vlaneseq.u32;
	vm0 =	vmmov $0xffff;
	v0 =	vmov s0  }
0x6: {  	v63 =	vshrl.u32 v50, $0x3;
	v1 =	vor.u32 s0, v50;
	s2 =	sor.u32 $0x10, s0;
	s3 =	sor.u32 $0x20, s0;
	v0 =	vand.u32 $0x3000, v0  }
0x7: {  	s4 =	sor.u32 $0x30, s0;
	s26 =	sor.u32 $0x40, s0;
	s28 =	sor.u32 $0x50, s0;
	v2 =	vor.u32 s2, v50;
	v3 =	vmov s3;
	v6 =	vor.u32 s3, v50  }
0x8: {  	s8 =	sor.u32 $0x70, s0;
	s29 =	sadd.s32 $0x80, s0;
	v8 =	vor.u32 s4, v50;
	v10 =	vor.u32 s26, v50;
	v11 =	vor.u32 s28, v50  }
0x9: {  	s14 =	sadd.s32 $0x90, s0;
	s10 =	sadd.s32 $0xA0, s0;
	s15 =	sadd.s32 $0xC0, s0;
	v12 =	vmov s8;
	v16 =	vor.u32 s8, v50;
	v18 =	vor.u32 s29, v50  }
0xa: {  	s16 =	sadd.s32 $0xD0, s0;
	v20 =	vor.u32 s14, v50;
	v21 =	vor.u32 s10, v50;
	v22 =	vmov s15  }
0xb: {  	s17 =	sadd.s32 $0xE0, s0;
	v26 =	vor.u32 s15, v50;
	v28 =	vor.u32 s16, v50;
	v1 =	vsub.s32 v1, v0  }
0xc: {  	s18 =	sadd.s32 $0xF0, s0;
	s13 =	sadd.s32 $0x110, s0;
	v30 =	vor.u32 s17, v50;
	v4 =	vmul.u32 $0x3, v1;
	v1 =	vmov s2  }
0xd: {  	v31 =	vor.u32 s18, v50;
	v34 =	vmov s13;
	v1 =	vand.u32 $0x7FFFF000, v1  }
0xe: {  	s12 =	sadd.s32 $0x120, s0;
	v36 =	vor.u32 s13, v50;
	v5 =	vsub.s32 v2, v1;
	v2 =	vand.u32 $0x7FFFF000, v3  }
0xf: {  	s20 =	sadd.s32 $0x150, s0;
	v57 =	vmov s12;
	v38 =	vor.u32 s12, v50;
	v3 =	vsub.s32 v6, v2  }
0x10: {  	s21 =	sadd.s32 $0x160, s0;
	v42 =	vmov s20;
	v6 =	vmov s4;
	v7 =	vmul.u32 $0x3, v3  }
0x11: {  	v43 =	vor.u32 s20, v50;
	v44 =	vmov s21;
	v3 =	vand.u32 $0x7FFFF000, v6  }
0x12: {  	v8 =	vsub.s32 v8, v3;
	v6 =	vadd.s32 $0x2, v7;
	v7 =	vmov s26  }
0x13: {  	v9 =	vmul.u32 $0x3, v8;
	v8 =	vmov s28;
	v7 =	vand.u32 $0x7FFFF000, v7  }
0x14: {  	s6 =	sor.u32 $0x60, s0;
	v5 =	vmul.u32 $0x3, v5;
	v8 =	vand.u32 $0x7FFFF000, v8;
	v10 =	vsub.s32 v10, v7  }
0x15: {  	v11 =	vsub.s32 v11, v8;
	v13 =	vmul.u32 $0x3, v10;
	v10 =	vmov s6  }
0x16: {  	v14 =	vmul.u32 $0x3, v11;
	v11 =	vor.u32 s6, v50;
	v10 =	vand.u32 $0x7FFFF000, v10  }
0x17: {  	v45 =	vor.u32 s21, v50;
	v15 =	vsub.s32 v11, v10;
	v11 =	vand.u32 $0x7FFFF000, v12  }
0x18: {  	v4 =	vadd.s32 $0x2, v4;
	v5 =	vadd.s32 $0x2, v5;
	v12 =	vsub.s32 v16, v11  }
0x19: {  	v9 =	vadd.s32 $0x2, v9;
	v16 =	vmov s29;
	v17 =	vmul.u32 $0x3, v12  }
0x1a: {  	v13 =	vadd.s32 $0x2, v13;
	v14 =	vadd.s32 $0x2, v14;
	v12 =	vand.u32 $0x7FFFF000, v16  }
0x1b: {  	v15 =	vmul.u32 $0x3, v15;
	v18 =	vsub.s32 v18, v12;
	v16 =	vadd.s32 $0x2, v17  }
0x1c: {  	v19 =	vmul.u32 $0x3, v18;
	v17 =	vmov s14;
	v18 =	vmov s10  }
0x1d: {  	s7 =	rddreg [dreg:$0x0];
	s3 =	simm.s32 $0x0;
	v15 =	vadd.s32 $0x2, v15;
	s10 =	sadd.s32 $0x130, s0;
	v17 =	vand.u32 $0x7FFFF000, v17;
	v18 =	vand.u32 $0x7FFFF000, v18  }
0x1e: {  	[smem:$0x7FF] =	sst s3;
	v37 =	vmov s10;
	v39 =	vor.u32 s10, v50;
	v19 =	vadd.s32 $0x2, v19  }
0x1f: {  	s9 =	sadd.s32 $0x600, s7;
	s11 =	sadd.s32 $0xB0, s0;
	s2 =	rddreg [dreg:$0x1];
	v20 =	vsub.s32 v20, v17;
	v21 =	vsub.s32 v21, v18;
	v37 =	vand.u32 $0x7FFFF000, v37  }
0x20: {  	_ =	strace $0x80000047;
	[dreg:$0x3] =	wrdreg s9;
	v23 =	vmul.u32 $0x3, v20;
	v24 =	vmul.u32 $0x3, v21;
	v20 =	vmov s11  }
0x21: {  	s9 =	sadd.s32 $0x100, s0;
	v21 =	vor.u32 s11, v50;
	s11 =	sadd.s32 $0x140, s0;
	s0 =	sadd.s32 $0x170, s0;
	v39 =	vsub.s32 v39, v37;
	v20 =	vand.u32 $0x7FFFF000, v20  }
0x22: {  	v40 =	vmov s11;
	v41 =	vor.u32 s11, v50;
	v46 =	vmov s0  }
0x23: {  	v47 =	vor.u32 s0, v50;
	v49 =	vmul.u32 $0x3, v39;
	v39 =	vand.u32 $0x7FFFF000, v42  }
0x24: {  	v25 =	vsub.s32 v21, v20;
	v21 =	vand.u32 $0x7FFFF000, v22;
	v23 =	vadd.s32 $0x2, v23  }
0x25: {  	v24 =	vadd.s32 $0x2, v24;
	v42 =	vsub.s32 v43, v39;
	v22 =	vsub.s32 v26, v21  }
0x26: {  	v25 =	vmul.u32 $0x3, v25;
	v26 =	vmov s16;
	v27 =	vmul.u32 $0x3, v22  }
0x27: {  	v60 =	vmul.u32 $0x3, v42;
	v43 =	vadd.s32 $0x2, v49;
	v22 =	vand.u32 $0x7FFFF000, v26  }
0x28: {  	v28 =	vsub.s32 v28, v22;
	v26 =	vadd.s32 $0x2, v27;
	v27 =	vmov s17  }
0x29: {  	v29 =	vmul.u32 $0x3, v28;
	v28 =	vmov s18;
	v27 =	vand.u32 $0x7FFFF000, v27  }
0x2a: {  	s30 =	ssub.s32 $0x2, s5;
	v49 =	vmul.u32 $0x8, v63;
	v28 =	vand.u32 $0x7FFFF000, v28;
	v30 =	vsub.s32 v30, v27  }
0x2b: {  	s31 =	sshrl.u32 s30, $0x1;
	s19 =	smul.u32 $0xC000, s1;
	v31 =	vsub.s32 v31, v28;
	v32 =	vmul.u32 $0x3, v30;
	v30 =	vmov s9  }
0x2c: {  	s5 =	sadd.s32 $0xC00, s7;
	s7 =	ssub.s32 s30, s31;
	v33 =	vmul.u32 $0x3, v31;
	v31 =	vor.u32 s9, v50;
	v30 =	vand.u32 $0x7FFFF000, v30  }
0x2d: {  	s19 =	sadd.s32 s5, s19;
	s7 =	smax.u32 s7, $0x1;
	s23 =	sshll.u32 s14, $0x7;
	v25 =	vadd.s32 $0x2, v25;
	v29 =	vadd.s32 $0x2, v29;
	v35 =	vsub.s32 v31, v30  }
0x2e: {  	s25 =	sshll.u32 s15, $0x7;
	s30 =	sshll.u32 s12, $0x7;
	s31 =	sshll.u32 s20, $0x7;
	v31 =	vand.u32 $0x7FFFF000, v34;
	v32 =	vadd.s32 $0x2, v32;
	v33 =	vadd.s32 $0x2, v33  }
0x2f: {  	s24 =	sadd.s32 s5, s23;
	[dreg:$0x4] =	wrdreg s19;
	s4 =	sshll.u32 s4, $0x7;
	v55 =	vmul.u32 $0x3, v35;
	v56 =	vsub.s32 v36, v31;
	v36 =	vand.u32 $0x7FFFF000, v57  }
0x30: {  	s8 =	simm.s32 $0xF400;
	[dreg:$0x7] =	wrdreg s24;
	s4 =	sadd.s32 s5, s4;
	v35 =	vmul.u32 $0x3, v56;
	v48 =	vsub.s32 v38, v36;
	v38 =	vand.u32 $0x7FFFF000, v40  }
0x31: {  	[dreg:$0x5] =	wrdreg s4;
	s26 =	sadd.s32 s5, s25;
	s6 =	sshll.u32 s6, $0x7;
	v40 =	vand.u32 $0x7FFFF000, v44;
	v34 =	vadd.s32 $0x2, v55;
	v48 =	vmul.u32 $0x3, v48  }
0x32: {  	s13 =	simm.s32 $0x2;
	[dreg:$0x8] =	wrdreg s26;
	s22 =	sadd.s32 s5, s6;
	v58 =	vsub.s32 v41, v38;
	v59 =	vsub.s32 v45, v40;
	v41 =	vand.u32 $0x7FFFF000, v46  }
0x33: {  	s28 =	sshll.u32 s18, $0x7;
	s6 =	sadd.s32 s5, s30;
	[dreg:$0x6] =	wrdreg s22;
	v45 =	vadd.s32 $0x2, v60;
	v35 =	vadd.s32 $0x2, v35;
	v62 =	vsub.s32 v47, v41  }
0x34: {  	s4 =	sadd.s32 $0x100, s2;
	[dreg:$0xa] =	wrdreg s6;
	s29 =	sadd.s32 s5, s28;
	v51 =	vmul.u32 $0x3, v58;
	v61 =	vmul.u32 $0x3, v59;
	v47 =	vmul.u32 $0x3, v62  }
0x35: {  	s6 =	sadd.s32 $0x300, s2;
	[dreg:$0x9] =	wrdreg s29;
	s14 =	sadd.s32 s5, s31;
	v42 =	vadd.s32 $0x2, v48;
	v48 =	vand.u32 $0x7, v50;
	v50 =	vor.u32 $0x8, v50  }
0x36: {  	s5 =	sadd.s32 $0x200, s2;
	[dreg:$0xb] =	wrdreg s14;
	s14 =	simm.s32 $0x3;
	v44 =	vadd.s32 $0x2, v51;
	v46 =	vadd.s32 $0x2, v61;
	v47 =	vadd.s32 $0x2, v47  }
.LBB2_1:
0x37: {  	[dreg:$0xc] =	wrdreg s7  }
0x38: {  	s15 =	rddreg [dreg:$0x3];
	s29 =	simm.s32 $0x5  }
0x39: {  	[tilespmem:s3], [sflag:$0x5] =	stream.linear.gather [hbm4b:s15+s3], $0x3000, $0x38;
	[tilespmem:$0x1B400] =	vst v63  }
0x3a: {  	_ =	swait.ge [sflag:s29], $0x3000  }
0x3b: {  	[sflag:s29] =	ssyncset.done $0x0  }
0x3c: {  	[sflag:s29] =	ssyncadd.s32 $0xFFFFD000  }
0x3d: {  	v51 =	vld.idx.msk [tilespmem:v4+s3+$0x0], $0xffff;
	_ =	sdelay $0x4  }
0x3e: {  	v52 =	vadd.s32 v0, v51  }
0x3f: {  	[tilespmem:$0x3000] =	vst v52  }
0x40: {  	v53 =	vld.idx.msk [tilespmem:v5+s3+$0x0], $0xffff;
	_ =	sdelay $0x4  }
0x41: {  	v53 =	vadd.s32 v1, v53  }
0x42: {  	[tilespmem:$0x3010] =	vst v53  }
0x43: {  	v53 =	vld.idx.msk [tilespmem:v6+s3+$0x0], $0xffff;
	_ =	sdelay $0x4  }
0x44: {  	v53 =	vadd.s32 v2, v53  }
0x45: {  	[tilespmem:$0x3020] =	vst v53  }
0x46: {  	v53 =	vld.idx.msk [tilespmem:v9+s3+$0x0], $0xffff;
	_ =	sdelay $0x4  }
0x47: {  	v53 =	vadd.s32 v3, v53  }
0x48: {  	[tilespmem:$0x3080] =	vst v53  }
0x49: {  	v53 =	vld.idx.msk [tilespmem:v13+s3+$0x0], $0xffff;
	_ =	sdelay $0x4  }
0x4a: {  	v53 =	vadd.s32 v7, v53  }
0x4b: {  	[tilespmem:$0x3090] =	vst v53  }
0x4c: {  	v53 =	vld.idx.msk [tilespmem:v14+s3+$0x0], $0xffff;
	_ =	sdelay $0x4  }
0x4d: {  	v53 =	vadd.s32 v8, v53  }
0x4e: {  	[tilespmem:$0x30A0] =	vst v53  }
0x4f: {  	v53 =	vld.idx.msk [tilespmem:v15+s3+$0x0], $0xffff;
	_ =	sdelay $0x4  }
0x50: {  	v53 =	vadd.s32 v10, v53  }
0x51: {  	[tilespmem:$0x3100] =	vst v53  }
0x52: {  	v53 =	vld.idx.msk [tilespmem:v16+s3+$0x0], $0xffff;
	_ =	sdelay $0x4  }
0x53: {  	v53 =	vadd.s32 v11, v53  }
0x54: {  	[tilespmem:$0x3110] =	vst v53  }
0x55: {  	v53 =	vld.idx.msk [tilespmem:v19+s3+$0x0], $0xffff;
	_ =	sdelay $0x4  }
0x56: {  	v53 =	vadd.s32 v12, v53  }
0x57: {  	[tilespmem:$0x3120] =	vst v53  }
0x58: {  	v53 =	vld.idx.msk [tilespmem:v23+s3+$0x0], $0xffff;
	_ =	sdelay $0x4  }
0x59: {  	v53 =	vadd.s32 v17, v53  }
0x5a: {  	[tilespmem:$0x3180] =	vst v53  }
0x5b: {  	v53 =	vld.idx.msk [tilespmem:v24+s3+$0x0], $0xffff;
	_ =	sdelay $0x4  }
0x5c: {  	v53 =	vadd.s32 v18, v53  }
0x5d: {  	[tilespmem:$0x3190] =	vst v53  }
0x5e: {  	v53 =	vld.idx.msk [tilespmem:v25+s3+$0x0], $0xffff;
	_ =	sdelay $0x4  }
0x5f: {  	v53 =	vadd.s32 v20, v53  }
0x60: {  	[tilespmem:$0x31A0] =	vst v53  }
0x61: {  	v53 =	vld.idx.msk [tilespmem:v26+s3+$0x0], $0xffff;
	_ =	sdelay $0x4  }
0x62: {  	v53 =	vadd.s32 v21, v53  }
0x63: {  	[tilespmem:$0x3200] =	vst v53  }
0x64: {  	v53 =	vld.idx.msk [tilespmem:v29+s3+$0x0], $0xffff;
	_ =	sdelay $0x4  }
0x65: {  	v53 =	vadd.s32 v22, v53  }
0x66: {  	[tilespmem:$0x3210] =	vst v53  }
0x67: {  	v53 =	vld.idx.msk [tilespmem:v32+s3+$0x0], $0xffff;
	_ =	sdelay $0x4  }
0x68: {  	v53 =	vadd.s32 v27, v53  }
0x69: {  	[tilespmem:$0x3220] =	vst v53  }
0x6a: {  	v53 =	vld.idx.msk [tilespmem:v33+s3+$0x0], $0xffff;
	_ =	sdelay $0x4  }
0x6b: {  	v53 =	vadd.s32 v28, v53  }
0x6c: {  	[tilespmem:$0x3280] =	vst v53  }
0x6d: {  	v53 =	vld.idx.msk [tilespmem:v34+s3+$0x0], $0xffff;
	_ =	sdelay $0x4  }
0x6e: {  	v53 =	vadd.s32 v30, v53  }
0x6f: {  	[tilespmem:$0x3290] =	vst v53  }
0x70: {  	v53 =	vld.idx.msk [tilespmem:v35+s3+$0x0], $0xffff;
	_ =	sdelay $0x4  }
0x71: {  	v53 =	vadd.s32 v31, v53  }
0x72: {  	[tilespmem:$0x32A0] =	vst v53  }
0x73: {  	v53 =	vld.idx.msk [tilespmem:v42+s3+$0x0], $0xffff;
	_ =	sdelay $0x4  }
0x74: {  	v53 =	vadd.s32 v36, v53  }
0x75: {  	[tilespmem:$0x3300] =	vst v53  }
0x76: {  	v53 =	vld.idx.msk [tilespmem:v43+s3+$0x0], $0xffff;
	_ =	sdelay $0x4  }
0x77: {  	v53 =	vadd.s32 v37, v53  }
0x78: {  	[tilespmem:$0x3310] =	vst v53  }
0x79: {  	v53 =	vld.idx.msk [tilespmem:v44+s3+$0x0], $0xffff;
	_ =	sdelay $0x4  }
0x7a: {  	v53 =	vadd.s32 v38, v53  }
0x7b: {  	[tilespmem:$0x3320] =	vst v53  }
0x7c: {  	v53 =	vld.idx.msk [tilespmem:v45+s3+$0x0], $0xffff;
	_ =	sdelay $0x4  }
0x7d: {  	v53 =	vadd.s32 v39, v53  }
0x7e: {  	[tilespmem:$0x3380] =	vst v53  }
0x7f: {  	v53 =	vld.idx.msk [tilespmem:v46+s3+$0x0], $0xffff;
	_ =	sdelay $0x3  }
0x80: {  	v52 =	vshll.u32 v52, $0x3  }
0x81: {  	v51 =	vand.u32 $0x7, v51;
	v52 =	vand.u32 $0xFFFFFFC0, v52;
	v53 =	vadd.s32 v40, v53  }
0x82: {  	v51 =	vor.u32 v51, v52;
	[tilespmem:$0x3390] =	vst v53  }
0x83: {  	v57 =	vperm.xlane v51, v48;
	v56 =	vld.idx.msk [tilespmem:v47+s3+$0x0], $0xffff;
	_ =	sdelay $0x1  }
0x84: {  	v53 =	vadd.s32 v49, v57;
	_ =	sdelay $0x2  }
0x85: {  	v52 =	vadd.s32 v41, v56  }
0x86: {  	s0 =	simm.s32 $0x3400;
	[tilespmem:$0x33A0] =	vst v52  }
0x87: {  	[tilespmem:s0], [sflag:$0x1] =	stream.indirect_vreg.gather [hbm4b:s2+s3], $0x80, v53, vm0, $0xb8;
	[tilespmem:$0x1B400] =	vst v63  }
0x88: {  	s30 =	simm.s32 $0x3C00;
	v51 =	vperm.xlane v51, v50  }
0x89: {  	[tilespmem:s30], [sflag:$0x1] =	stream.indirect_vreg.gather [hbm4b:s4+s3], $0x80, v53, vm0, $0xb8;
	[tilespmem:$0x1B400] =	vst v63  }
0x8a: {  	s31 =	simm.s32 $0x4400;
	v51 =	vadd.s32 v49, v51  }
0x8b: {  	[tilespmem:s31], [sflag:$0x1] =	stream.indirect_vreg.gather [hbm4b:s5+s3], $0x80, v53, vm0, $0xb8;
	[tilespmem:$0x1B400] =	vst v63  }
0x8c: {  	s1 =	simm.s32 $0x4C00  }
0x8d: {  	[tilespmem:s1], [sflag:$0x1] =	stream.indirect_vreg.gather [hbm4b:s6+s3], $0x80, v53, vm0, $0xb8;
	[tilespmem:$0x1B400] =	vst v63  }
0x8e: {  	s7 =	simm.s32 $0x5400  }
0x8f: {  	[tilespmem:s7], [sflag:$0x1] =	stream.indirect_vreg.gather [hbm4b:s2+s3], $0x80, v51, vm0, $0xb8;
	[tilespmem:$0x1B400] =	vst v63  }
0x90: {  	s9 =	simm.s32 $0x5C00  }
0x91: {  	[tilespmem:s9], [sflag:$0x1] =	stream.indirect_vreg.gather [hbm4b:s4+s3], $0x80, v51, vm0, $0xb8;
	[tilespmem:$0x1B400] =	vst v63  }
0x92: {  	s10 =	simm.s32 $0x6400  }
0x93: {  	[tilespmem:s10], [sflag:$0x1] =	stream.indirect_vreg.gather [hbm4b:s5+s3], $0x80, v51, vm0, $0xb8;
	[tilespmem:$0x1B400] =	vst v63  }
0x94: {  	s15 =	simm.s32 $0x6C00  }
0x95: {  	[tilespmem:s15], [sflag:$0x1] =	stream.indirect_vreg.gather [hbm4b:s6+s3], $0x80, v51, vm0, $0xb8;
	[tilespmem:$0x1B400] =	vst v63  }
0x96: {  	v51 =	vld [tilespmem:$0x3010];
	_ =	sdelay $0x4  }
0x97: {  	v58 =	vshll.u32 v51, $0x3  }
0x98: {  	v51 =	vand.u32 $0x7, v51;
	v52 =	vand.u32 $0xFFFFFFC0, v58  }
0x99: {  	v51 =	vor.u32 v51, v52  }
0x9a: {  	v52 =	vperm.xlane v51, v48;
	_ =	sdelay $0x1  }
0x9b: {  	v52 =	vadd.s32 v49, v52;
	_ =	sdelay $0x3  }
0x9c: {  	s17 =	simm.s32 $0x7400  }
0x9d: {  	[tilespmem:s17], [sflag:$0x1] =	stream.indirect_vreg.gather [hbm4b:s2+s3], $0x80, v52, vm0, $0xb8;
	[tilespmem:$0x1B400] =	vst v63  }
0x9e: {  	s18 =	simm.s32 $0x7C00;
	v51 =	vperm.xlane v51, v50  }
0x9f: {  	[tilespmem:s18], [sflag:$0x1] =	stream.indirect_vreg.gather [hbm4b:s4+s3], $0x80, v52, vm0, $0xb8;
	[tilespmem:$0x1B400] =	vst v63  }
0xa0: {  	s19 =	simm.s32 $0x8400;
	v51 =	vadd.s32 v49, v51  }
0xa1: {  	[tilespmem:s19], [sflag:$0x1] =	stream.indirect_vreg.gather [hbm4b:s5+s3], $0x80, v52, vm0, $0xb8;
	[tilespmem:$0x1B400] =	vst v63  }
0xa2: {  	s22 =	simm.s32 $0x8C00  }
0xa3: {  	[tilespmem:s22], [sflag:$0x1] =	stream.indirect_vreg.gather [hbm4b:s6+s3], $0x80, v52, vm0, $0xb8;
	[tilespmem:$0x1B400] =	vst v63  }
0xa4: {  	s23 =	simm.s32 $0x9400  }
0xa5: {  	[tilespmem:s23], [sflag:$0x1] =	stream.indirect_vreg.gather [hbm4b:s2+s3], $0x80, v51, vm0, $0xb8;
	[tilespmem:$0x1B400] =	vst v63  }
0xa6: {  	s24 =	simm.s32 $0x9C00  }
0xa7: {  	[tilespmem:s24], [sflag:$0x1] =	stream.indirect_vreg.gather [hbm4b:s4+s3], $0x80, v51, vm0, $0xb8;
	[tilespmem:$0x1B400] =	vst v63  }
0xa8: {  	s31 =	simm.s32 $0xA400  }
0xa9: {  	[tilespmem:s31], [sflag:$0x1] =	stream.indirect_vreg.gather [hbm4b:s5+s3], $0x80, v51, vm0, $0xb8;
	[tilespmem:$0x1B400] =	vst v63  }
0xaa: {  	s1 =	simm.s32 $0xAC00  }
0xab: {  	[tilespmem:s1], [sflag:$0x1] =	stream.indirect_vreg.gather [hbm4b:s6+s3], $0x80, v51, vm0, $0xb8;
	[tilespmem:$0x1B400] =	vst v63  }
0xac: {  	v51 =	vld [tilespmem:$0x3020];
	_ =	sdelay $0x4  }
0xad: {  	v59 =	vshll.u32 v51, $0x3  }
0xae: {  	v51 =	vand.u32 $0x7, v51;
	v52 =	vand.u32 $0xFFFFFFC0, v59  }
0xaf: {  	v51 =	vor.u32 v51, v52  }
0xb0: {  	v52 =	vperm.xlane v51, v48;
	_ =	sdelay $0x1  }
0xb1: {  	v52 =	vadd.s32 v49, v52;
	_ =	sdelay $0x3  }
0xb2: {  	s7 =	simm.s32 $0xB400  }
0xb3: {  	[tilespmem:s7], [sflag:$0x1] =	stream.indirect_vreg.gather [hbm4b:s2+s3], $0x80, v52, vm0, $0xb8;
	[tilespmem:$0x1B400] =	vst v63  }
0xb4: {  	s9 =	simm.s32 $0xBC00;
	v51 =	vperm.xlane v51, v50  }
0xb5: {  	[tilespmem:s9], [sflag:$0x1] =	stream.indirect_vreg.gather [hbm4b:s4+s3], $0x80, v52, vm0, $0xb8;
	[tilespmem:$0x1B400] =	vst v63  }
0xb6: {  	s15 =	simm.s32 $0xC400;
	v51 =	vadd.s32 v49, v51  }
0xb7: {  	[tilespmem:s15], [sflag:$0x1] =	stream.indirect_vreg.gather [hbm4b:s5+s3], $0x80, v52, vm0, $0xb8;
	[tilespmem:$0x1B400] =	vst v63  }
0xb8: {  	s17 =	simm.s32 $0xCC00  }
0xb9: {  	[tilespmem:s17], [sflag:$0x1] =	stream.indirect_vreg.gather [hbm4b:s6+s3], $0x80, v52, vm0, $0xb8;
	[tilespmem:$0x1B400] =	vst v63  }
0xba: {  	s18 =	simm.s32 $0xD400  }
0xbb: {  	[tilespmem:s18], [sflag:$0x1] =	stream.indirect_vreg.gather [hbm4b:s2+s3], $0x80, v51, vm0, $0xb8;
	[tilespmem:$0x1B400] =	vst v63  }
0xbc: {  	s19 =	simm.s32 $0xDC00  }
0xbd: {  	[tilespmem:s19], [sflag:$0x1] =	stream.indirect_vreg.gather [hbm4b:s4+s3], $0x80, v51, vm0, $0xb8;
	[tilespmem:$0x1B400] =	vst v63  }
0xbe: {  	s22 =	simm.s32 $0xE400  }
0xbf: {  	[tilespmem:s22], [sflag:$0x1] =	stream.indirect_vreg.gather [hbm4b:s5+s3], $0x80, v51, vm0, $0xb8;
	[tilespmem:$0x1B400] =	vst v63  }
0xc0: {  	s23 =	simm.s32 $0xEC00;
	s7 =	simm.s32 $0x1  }
0xc1: {  	[tilespmem:s23], [sflag:$0x1] =	stream.indirect_vreg.gather [hbm4b:s6+s3], $0x80, v51, vm0, $0xb8;
	[tilespmem:$0x1B400] =	vst v63  }
0xc2: {  	_ =	swait.ge [sflag:s7], $0xC000  }
0xc3: {  	[sflag:s7] =	ssyncset.done $0x0  }
0xc4: {  	[sflag:s7] =	ssyncadd.s32 $0xFFFF4000  }
0xc5: {  	v60 =	vld [tilespmem:$0x3080];
	_ =	sdelay $0x4  }
0xc6: {  	v61 =	vshll.u32 v60, $0x3  }
0xc7: {  	v51 =	vand.u32 $0x7, v60;
	v52 =	vand.u32 $0xFFFFFFC0, v61  }
0xc8: {  	v51 =	vor.u32 v51, v52  }
0xc9: {  	v52 =	vperm.xlane v51, v48;
	_ =	sdelay $0x1  }
0xca: {  	v52 =	vadd.s32 v49, v52;
	_ =	sdelay $0x4  }
0xcb: {  	[tilespmem:s8], [sflag:$0x2] =	stream.indirect_vreg.gather [hbm4b:s2+s3], $0x80, v52, vm0, $0xb8;
	[tilespmem:$0x1B400] =	vst v63  }
0xcc: {  	s24 =	simm.s32 $0xFC00;
	v51 =	vperm.xlane v51, v50  }
0xcd: {  	[tilespmem:s24], [sflag:$0x2] =	stream.indirect_vreg.gather [hbm4b:s4+s3], $0x80, v52, vm0, $0xb8;
	[tilespmem:$0x1B400] =	vst v63  }
0xce: {  	s31 =	simm.s32 $0x10400;
	v51 =	vadd.s32 v49, v51  }
0xcf: {  	[tilespmem:s31], [sflag:$0x2] =	stream.indirect_vreg.gather [hbm4b:s5+s3], $0x80, v52, vm0, $0xb8;
	[tilespmem:$0x1B400] =	vst v63  }
0xd0: {  	s0 =	simm.s32 $0x10C00  }
0xd1: {  	[tilespmem:s0], [sflag:$0x2] =	stream.indirect_vreg.gather [hbm4b:s6+s3], $0x80, v52, vm0, $0xb8;
	[tilespmem:$0x1B400] =	vst v63  }
0xd2: {  	s1 =	simm.s32 $0x11400  }
0xd3: {  	[tilespmem:s1], [sflag:$0x2] =	stream.indirect_vreg.gather [hbm4b:s2+s3], $0x80, v51, vm0, $0xb8;
	[tilespmem:$0x1B400] =	vst v63  }
0xd4: {  	s17 =	simm.s32 $0x11C00  }
0xd5: {  	[tilespmem:s17], [sflag:$0x2] =	stream.indirect_vreg.gather [hbm4b:s4+s3], $0x80, v51, vm0, $0xb8;
	[tilespmem:$0x1B400] =	vst v63  }
0xd6: {  	s18 =	simm.s32 $0x12400  }
0xd7: {  	[tilespmem:s18], [sflag:$0x2] =	stream.indirect_vreg.gather [hbm4b:s5+s3], $0x80, v51, vm0, $0xb8;
	[tilespmem:$0x1B400] =	vst v63  }
0xd8: {  	s19 =	simm.s32 $0x12C00  }
0xd9: {  	[tilespmem:s19], [sflag:$0x2] =	stream.indirect_vreg.gather [hbm4b:s6+s3], $0x80, v51, vm0, $0xb8;
	[tilespmem:$0x1B400] =	vst v63  }
0xda: {  	v51 =	vld [tilespmem:$0x3090];
	_ =	sdelay $0x4  }
0xdb: {  	v62 =	vshll.u32 v51, $0x3  }
0xdc: {  	v51 =	vand.u32 $0x7, v51;
	v52 =	vand.u32 $0xFFFFFFC0, v62  }
0xdd: {  	v51 =	vor.u32 v51, v52  }
0xde: {  	v52 =	vperm.xlane v51, v48;
	_ =	sdelay $0x1  }
0xdf: {  	v52 =	vadd.s32 v49, v52;
	_ =	sdelay $0x3  }
0xe0: {  	s22 =	simm.s32 $0x13400  }
0xe1: {  	[tilespmem:s22], [sflag:$0x2] =	stream.indirect_vreg.gather [hbm4b:s2+s3], $0x80, v52, vm0, $0xb8;
	[tilespmem:$0x1B400] =	vst v63  }
0xe2: {  	s23 =	simm.s32 $0x13C00;
	v51 =	vperm.xlane v51, v50  }
0xe3: {  	[tilespmem:s23], [sflag:$0x2] =	stream.indirect_vreg.gather [hbm4b:s4+s3], $0x80, v52, vm0, $0xb8;
	[tilespmem:$0x1B400] =	vst v63  }
0xe4: {  	s24 =	simm.s32 $0x14400;
	v51 =	vadd.s32 v49, v51  }
0xe5: {  	[tilespmem:s24], [sflag:$0x2] =	stream.indirect_vreg.gather [hbm4b:s5+s3], $0x80, v52, vm0, $0xb8;
	[tilespmem:$0x1B400] =	vst v63  }
0xe6: {  	s31 =	simm.s32 $0x14C00  }
0xe7: {  	[tilespmem:s31], [sflag:$0x2] =	stream.indirect_vreg.gather [hbm4b:s6+s3], $0x80, v52, vm0, $0xb8;
	[tilespmem:$0x1B400] =	vst v63  }
0xe8: {  	s0 =	simm.s32 $0x15400  }
0xe9: {  	[tilespmem:s0], [sflag:$0x2] =	stream.indirect_vreg.gather [hbm4b:s2+s3], $0x80, v51, vm0, $0xb8;
	[tilespmem:$0x1B400] =	vst v63  }
0xea: {  	s1 =	simm.s32 $0x15C00  }
0xeb: {  	[tilespmem:s1], [sflag:$0x2] =	stream.indirect_vreg.gather [hbm4b:s4+s3], $0x80, v51, vm0, $0xb8;
	[tilespmem:$0x1B400] =	vst v63  }
0xec: {  	s22 =	simm.s32 $0x16400  }
0xed: {  	[tilespmem:s22], [sflag:$0x2] =	stream.indirect_vreg.gather [hbm4b:s5+s3], $0x80, v51, vm0, $0xb8;
	[tilespmem:$0x1B400] =	vst v63  }
0xee: {  	s23 =	simm.s32 $0x16C00  }
0xef: {  	[tilespmem:s23], [sflag:$0x2] =	stream.indirect_vreg.gather [hbm4b:s6+s3], $0x80, v51, vm0, $0xb8;
	[tilespmem:$0x1B400] =	vst v63  }
0xf0: {  	v51 =	vld [tilespmem:$0x30A0];
	_ =	sdelay $0x4  }
0xf1: {  	v63 =	vshll.u32 v51, $0x3  }
0xf2: {  	v51 =	vand.u32 $0x7, v51;
	v52 =	vand.u32 $0xFFFFFFC0, v63  }
0xf3: {  	v51 =	vor.u32 v51, v52  }
0xf4: {  	v52 =	vperm.xlane v51, v48;
	_ =	sdelay $0x1  }
0xf5: {  	v52 =	vadd.s32 v49, v52;
	_ =	sdelay $0x3  }
0xf6: {  	s24 =	simm.s32 $0x17400  }
0xf7: {  	[tilespmem:s24], [sflag:$0x2] =	stream.indirect_vreg.gather [hbm4b:s2+s3], $0x80, v52, vm0, $0xb8;
	[tilespmem:$0x1B400] =	vst v63  }
0xf8: {  	s31 =	simm.s32 $0x17C00;
	v51 =	vperm.xlane v51, v50  }
0xf9: {  	[tilespmem:s31], [sflag:$0x2] =	stream.indirect_vreg.gather [hbm4b:s4+s3], $0x80, v52, vm0, $0xb8;
	[tilespmem:$0x1B400] =	vst v63  }
0xfa: {  	s0 =	simm.s32 $0x18400;
	v51 =	vadd.s32 v49, v51  }
0xfb: {  	[tilespmem:s0], [sflag:$0x2] =	stream.indirect_vreg.gather [hbm4b:s5+s3], $0x80, v52, vm0, $0xb8;
	[tilespmem:$0x1B400] =	vst v63  }
0xfc: {  	s1 =	simm.s32 $0x18C00  }
0xfd: {  	[tilespmem:s1], [sflag:$0x2] =	stream.indirect_vreg.gather [hbm4b:s6+s3], $0x80, v52, vm0, $0xb8;
	[tilespmem:$0x1B400] =	vst v63  }
0xfe: {  	s31 =	simm.s32 $0x19400  }
0xff: {  	[tilespmem:s31], [sflag:$0x2] =	stream.indirect_vreg.gather [hbm4b:s2+s3], $0x80, v51, vm0, $0xb8;
	[tilespmem:$0x1B400] =	vst v63  }
0x100: {  	s0 =	simm.s32 $0x19C00  }
0x101: {  	[tilespmem:s0], [sflag:$0x2] =	stream.indirect_vreg.gather [hbm4b:s4+s3], $0x80, v51, vm0, $0xb8;
	[tilespmem:$0x1B400] =	vst v63  }
0x102: {  	s1 =	simm.s32 $0x1A400  }
0x103: {  	[tilespmem:s1], [sflag:$0x2] =	stream.indirect_vreg.gather [hbm4b:s5+s3], $0x80, v51, vm0, $0xb8;
	[tilespmem:$0x1B400] =	vst v63  }
0x104: {  	s1 =	simm.s32 $0x1AC00  }
0x105: {  	[tilespmem:s1], [sflag:$0x2] =	stream.indirect_vreg.gather [hbm4b:s6+s3], $0x80, v51, vm0, $0xb8;
	[tilespmem:$0x1B400] =	vst v63  }
0x106: {  	s31 =	rddreg [dreg:$0x4];
	s0 =	simm.s32 $0x3400  }
0x107: {  	[hbm4b:s31+s3] =	stream.linear.scatter [tilespmem:s0], [sflag:$0x3], $0xC000, $0x38;
	[tilespmem:$0x1B400] =	vst v63  }
0x108: {  	_ =	swait.ge [sflag:s13], $0xC000  }
0x109: {  	[sflag:s13] =	ssyncset.done $0x0  }
0x10a: {  	[sflag:s13] =	ssyncadd.s32 $0xFFFF4000  }
0x10b: {  	_ =	swait.ge [sflag:s14], $0xC000  }
0x10c: {  	[sflag:s14] =	ssyncset.done $0x0  }
0x10d: {  	[sflag:s14] =	ssyncadd.s32 $0xFFFF4000  }
0x10e: {  	v56 =	vld [tilespmem:$0x3100];
	_ =	sdelay $0x4  }
0x10f: {  	v57 =	vshll.u32 v56, $0x3  }
0x110: {  	v51 =	vand.u32 $0x7, v56;
	v52 =	vand.u32 $0xFFFFFFC0, v57  }
0x111: {  	v51 =	vor.u32 v51, v52  }
0x112: {  	v52 =	vperm.xlane v51, v48;
	_ =	sdelay $0x1  }
0x113: {  	v52 =	vadd.s32 v49, v52;
	_ =	sdelay $0x4  }
0x114: {  	[tilespmem:s0], [sflag:$0x1] =	stream.indirect_vreg.gather [hbm4b:s2+s3], $0x80, v52, vm0, $0xb8;
	[tilespmem:$0x1B400] =	vst v63  }
0x115: {  	s12 =	simm.s32 $0x3C00;
	v51 =	vperm.xlane v51, v50  }
0x116: {  	[tilespmem:s12], [sflag:$0x1] =	stream.indirect_vreg.gather [hbm4b:s4+s3], $0x80, v52, vm0, $0xb8;
	[tilespmem:$0x1B400] =	vst v63  }
0x117: {  	s11 =	simm.s32 $0x4400;
	v51 =	vadd.s32 v49, v51  }
0x118: {  	[tilespmem:s11], [sflag:$0x1] =	stream.indirect_vreg.gather [hbm4b:s5+s3], $0x80, v52, vm0, $0xb8;
	[tilespmem:$0x1B400] =	vst v63  }
0x119: {  	s16 =	simm.s32 $0x4C00  }
0x11a: {  	[tilespmem:s16], [sflag:$0x1] =	stream.indirect_vreg.gather [hbm4b:s6+s3], $0x80, v52, vm0, $0xb8;
	[tilespmem:$0x1B400] =	vst v63  }
0x11b: {  	s20 =	simm.s32 $0x5400  }
0x11c: {  	[tilespmem:s20], [sflag:$0x1] =	stream.indirect_vreg.gather [hbm4b:s2+s3], $0x80, v51, vm0, $0xb8;
	[tilespmem:$0x1B400] =	vst v63  }
0x11d: {  	s21 =	simm.s32 $0x5C00  }
0x11e: {  	[tilespmem:s21], [sflag:$0x1] =	stream.indirect_vreg.gather [hbm4b:s4+s3], $0x80, v51, vm0, $0xb8;
	[tilespmem:$0x1B400] =	vst v63  }
0x11f: {  	s25 =	simm.s32 $0x6400  }
0x120: {  	[tilespmem:s25], [sflag:$0x1] =	stream.indirect_vreg.gather [hbm4b:s5+s3], $0x80, v51, vm0, $0xb8;
	[tilespmem:$0x1B400] =	vst v63  }
0x121: {  	s28 =	simm.s32 $0x6C00  }
0x122: {  	[tilespmem:s28], [sflag:$0x1] =	stream.indirect_vreg.gather [hbm4b:s6+s3], $0x80, v51, vm0, $0xb8;
	[tilespmem:$0x1B400] =	vst v63  }
0x123: {  	v51 =	vld [tilespmem:$0x3110];
	_ =	sdelay $0x4  }
0x124: {  	v58 =	vshll.u32 v51, $0x3  }
0x125: {  	v51 =	vand.u32 $0x7, v51;
	v52 =	vand.u32 $0xFFFFFFC0, v58  }
0x126: {  	v51 =	vor.u32 v51, v52  }
0x127: {  	v52 =	vperm.xlane v51, v48;
	_ =	sdelay $0x1  }
0x128: {  	v52 =	vadd.s32 v49, v52;
	_ =	sdelay $0x3  }
0x129: {  	s29 =	simm.s32 $0x7400  }
0x12a: {  	[tilespmem:s29], [sflag:$0x1] =	stream.indirect_vreg.gather [hbm4b:s2+s3], $0x80, v52, vm0, $0xb8;
	[tilespmem:$0x1B400] =	vst v63  }
0x12b: {  	s30 =	simm.s32 $0x7C00;
	v51 =	vperm.xlane v51, v50  }
0x12c: {  	[tilespmem:s30], [sflag:$0x1] =	stream.indirect_vreg.gather [hbm4b:s4+s3], $0x80, v52, vm0, $0xb8;
	[tilespmem:$0x1B400] =	vst v63  }
0x12d: {  	s26 =	simm.s32 $0x8400;
	v51 =	vadd.s32 v49, v51  }
0x12e: {  	[tilespmem:s26], [sflag:$0x1] =	stream.indirect_vreg.gather [hbm4b:s5+s3], $0x80, v52, vm0, $0xb8;
	[tilespmem:$0x1B400] =	vst v63  }
0x12f: {  	s28 =	simm.s32 $0x8C00  }
0x130: {  	[tilespmem:s28], [sflag:$0x1] =	stream.indirect_vreg.gather [hbm4b:s6+s3], $0x80, v52, vm0, $0xb8;
	[tilespmem:$0x1B400] =	vst v63  }
0x131: {  	s30 =	simm.s32 $0x9400  }
0x132: {  	[tilespmem:s30], [sflag:$0x1] =	stream.indirect_vreg.gather [hbm4b:s2+s3], $0x80, v51, vm0, $0xb8;
	[tilespmem:$0x1B400] =	vst v63  }
0x133: {  	s31 =	simm.s32 $0x9C00  }
0x134: {  	[tilespmem:s31], [sflag:$0x1] =	stream.indirect_vreg.gather [hbm4b:s4+s3], $0x80, v51, vm0, $0xb8;
	[tilespmem:$0x1B400] =	vst v63  }
0x135: {  	s10 =	simm.s32 $0xA400  }
0x136: {  	[tilespmem:s10], [sflag:$0x1] =	stream.indirect_vreg.gather [hbm4b:s5+s3], $0x80, v51, vm0, $0xb8;
	[tilespmem:$0x1B400] =	vst v63  }
0x137: {  	s10 =	simm.s32 $0xAC00  }
0x138: {  	[tilespmem:s10], [sflag:$0x1] =	stream.indirect_vreg.gather [hbm4b:s6+s3], $0x80, v51, vm0, $0xb8;
	[tilespmem:$0x1B400] =	vst v63  }
0x139: {  	v51 =	vld [tilespmem:$0x3120];
	_ =	sdelay $0x4  }
0x13a: {  	v59 =	vshll.u32 v51, $0x3  }
0x13b: {  	v51 =	vand.u32 $0x7, v51;
	v52 =	vand.u32 $0xFFFFFFC0, v59  }
0x13c: {  	v51 =	vor.u32 v51, v52  }
0x13d: {  	v52 =	vperm.xlane v51, v48;
	_ =	sdelay $0x1  }
0x13e: {  	v52 =	vadd.s32 v49, v52;
	_ =	sdelay $0x3  }
0x13f: {  	s29 =	simm.s32 $0xB400  }
0x140: {  	[tilespmem:s29], [sflag:$0x1] =	stream.indirect_vreg.gather [hbm4b:s2+s3], $0x80, v52, vm0, $0xb8;
	[tilespmem:$0x1B400] =	vst v63  }
0x141: {  	s11 =	simm.s32 $0xBC00;
	v51 =	vperm.xlane v51, v50  }
0x142: {  	[tilespmem:s11], [sflag:$0x1] =	stream.indirect_vreg.gather [hbm4b:s4+s3], $0x80, v52, vm0, $0xb8;
	[tilespmem:$0x1B400] =	vst v63  }
0x143: {  	v51 =	vadd.s32 v49, v51;
	s29 =	simm.s32 $0xC400  }
0x144: {  	[tilespmem:s29], [sflag:$0x1] =	stream.indirect_vreg.gather [hbm4b:s5+s3], $0x80, v52, vm0, $0xb8;
	[tilespmem:$0x1B400] =	vst v63  }
0x145: {  	s12 =	simm.s32 $0xCC00  }
0x146: {  	[tilespmem:s12], [sflag:$0x1] =	stream.indirect_vreg.gather [hbm4b:s6+s3], $0x80, v52, vm0, $0xb8;
	[tilespmem:$0x1B400] =	vst v63  }
0x147: {  	s12 =	simm.s32 $0xD400  }
0x148: {  	[tilespmem:s12], [sflag:$0x1] =	stream.indirect_vreg.gather [hbm4b:s2+s3], $0x80, v51, vm0, $0xb8;
	[tilespmem:$0x1B400] =	vst v63  }
0x149: {  	s15 =	simm.s32 $0xDC00  }
0x14a: {  	[tilespmem:s15], [sflag:$0x1] =	stream.indirect_vreg.gather [hbm4b:s4+s3], $0x80, v51, vm0, $0xb8;
	[tilespmem:$0x1B400] =	vst v63  }
0x14b: {  	s16 =	simm.s32 $0xE400  }
0x14c: {  	[tilespmem:s16], [sflag:$0x1] =	stream.indirect_vreg.gather [hbm4b:s5+s3], $0x80, v51, vm0, $0xb8;
	[tilespmem:$0x1B400] =	vst v63  }
0x14d: {  	s9 =	simm.s32 $0xEC00  }
0x14e: {  	[tilespmem:s9], [sflag:$0x1] =	stream.indirect_vreg.gather [hbm4b:s6+s3], $0x80, v51, vm0, $0xb8;
	[tilespmem:$0x1B400] =	vst v63  }
0x14f: {  	s20 =	rddreg [dreg:$0x5]  }
0x150: {  	[hbm4b:s20+s3] =	stream.linear.scatter [tilespmem:s8], [sflag:$0x4], $0xC000, $0x38;
	[tilespmem:$0x1B400] =	vst v63  }
0x151: {  	_ =	swait.ge [sflag:s7], $0xC000  }
0x152: {  	[sflag:s7] =	ssyncset.done $0x0  }
0x153: {  	s0 =	simm.s32 $0x4;
	[sflag:s7] =	ssyncadd.s32 $0xFFFF4000  }
0x154: {  	_ =	swait.ge [sflag:s0], $0xC000  }
0x155: {  	[sflag:s0] =	ssyncset.done $0x0  }
0x156: {  	[sflag:s0] =	ssyncadd.s32 $0xFFFF4000  }
0x157: {  	v60 =	vld [tilespmem:$0x3180];
	_ =	sdelay $0x4  }
0x158: {  	v61 =	vshll.u32 v60, $0x3  }
0x159: {  	v51 =	vand.u32 $0x7, v60;
	v52 =	vand.u32 $0xFFFFFFC0, v61  }
0x15a: {  	v51 =	vor.u32 v51, v52  }
0x15b: {  	v52 =	vperm.xlane v51, v48;
	_ =	sdelay $0x1  }
0x15c: {  	v52 =	vadd.s32 v49, v52;
	_ =	sdelay $0x4  }
0x15d: {  	[tilespmem:s8], [sflag:$0x2] =	stream.indirect_vreg.gather [hbm4b:s2+s3], $0x80, v52, vm0, $0xb8;
	[tilespmem:$0x1B400] =	vst v63  }
0x15e: {  	s21 =	simm.s32 $0xFC00;
	v51 =	vperm.xlane v51, v50  }
0x15f: {  	[tilespmem:s21], [sflag:$0x2] =	stream.indirect_vreg.gather [hbm4b:s4+s3], $0x80, v52, vm0, $0xb8;
	[tilespmem:$0x1B400] =	vst v63  }
0x160: {  	s25 =	simm.s32 $0x10400;
	v51 =	vadd.s32 v49, v51  }
0x161: {  	[tilespmem:s25], [sflag:$0x2] =	stream.indirect_vreg.gather [hbm4b:s5+s3], $0x80, v52, vm0, $0xb8;
	[tilespmem:$0x1B400] =	vst v63  }
0x162: {  	s26 =	simm.s32 $0x10C00  }
0x163: {  	[tilespmem:s26], [sflag:$0x2] =	stream.indirect_vreg.gather [hbm4b:s6+s3], $0x80, v52, vm0, $0xb8;
	[tilespmem:$0x1B400] =	vst v63  }
0x164: {  	s11 =	simm.s32 $0x11400  }
0x165: {  	[tilespmem:s11], [sflag:$0x2] =	stream.indirect_vreg.gather [hbm4b:s2+s3], $0x80, v51, vm0, $0xb8;
	[tilespmem:$0x1B400] =	vst v63  }
0x166: {  	s11 =	simm.s32 $0x11C00  }
0x167: {  	[tilespmem:s11], [sflag:$0x2] =	stream.indirect_vreg.gather [hbm4b:s4+s3], $0x80, v51, vm0, $0xb8;
	[tilespmem:$0x1B400] =	vst v63  }
0x168: {  	s16 =	simm.s32 $0x12400  }
0x169: {  	[tilespmem:s16], [sflag:$0x2] =	stream.indirect_vreg.gather [hbm4b:s5+s3], $0x80, v51, vm0, $0xb8;
	[tilespmem:$0x1B400] =	vst v63  }
0x16a: {  	s17 =	simm.s32 $0x12C00  }
0x16b: {  	[tilespmem:s17], [sflag:$0x2] =	stream.indirect_vreg.gather [hbm4b:s6+s3], $0x80, v51, vm0, $0xb8;
	[tilespmem:$0x1B400] =	vst v63  }
0x16c: {  	v51 =	vld [tilespmem:$0x3190];
	_ =	sdelay $0x4  }
0x16d: {  	v62 =	vshll.u32 v51, $0x3  }
0x16e: {  	v51 =	vand.u32 $0x7, v51;
	v52 =	vand.u32 $0xFFFFFFC0, v62  }
0x16f: {  	v51 =	vor.u32 v51, v52  }
0x170: {  	v52 =	vperm.xlane v51, v48;
	_ =	sdelay $0x1  }
0x171: {  	v52 =	vadd.s32 v49, v52;
	_ =	sdelay $0x3  }
0x172: {  	s18 =	simm.s32 $0x13400  }
0x173: {  	[tilespmem:s18], [sflag:$0x2] =	stream.indirect_vreg.gather [hbm4b:s2+s3], $0x80, v52, vm0, $0xb8;
	[tilespmem:$0x1B400] =	vst v63  }
0x174: {  	s19 =	simm.s32 $0x13C00;
	v51 =	vperm.xlane v51, v50  }
0x175: {  	[tilespmem:s19], [sflag:$0x2] =	stream.indirect_vreg.gather [hbm4b:s4+s3], $0x80, v52, vm0, $0xb8;
	[tilespmem:$0x1B400] =	vst v63  }
0x176: {  	s17 =	simm.s32 $0x14400;
	v51 =	vadd.s32 v49, v51  }
0x177: {  	[tilespmem:s17], [sflag:$0x2] =	stream.indirect_vreg.gather [hbm4b:s5+s3], $0x80, v52, vm0, $0xb8;
	[tilespmem:$0x1B400] =	vst v63  }
0x178: {  	s18 =	simm.s32 $0x14C00  }
0x179: {  	[tilespmem:s18], [sflag:$0x2] =	stream.indirect_vreg.gather [hbm4b:s6+s3], $0x80, v52, vm0, $0xb8;
	[tilespmem:$0x1B400] =	vst v63  }
0x17a: {  	s19 =	simm.s32 $0x15400  }
0x17b: {  	[tilespmem:s19], [sflag:$0x2] =	stream.indirect_vreg.gather [hbm4b:s2+s3], $0x80, v51, vm0, $0xb8;
	[tilespmem:$0x1B400] =	vst v63  }
0x17c: {  	s20 =	simm.s32 $0x15C00  }
0x17d: {  	[tilespmem:s20], [sflag:$0x2] =	stream.indirect_vreg.gather [hbm4b:s4+s3], $0x80, v51, vm0, $0xb8;
	[tilespmem:$0x1B400] =	vst v63  }
0x17e: {  	s21 =	simm.s32 $0x16400  }
0x17f: {  	[tilespmem:s21], [sflag:$0x2] =	stream.indirect_vreg.gather [hbm4b:s5+s3], $0x80, v51, vm0, $0xb8;
	[tilespmem:$0x1B400] =	vst v63  }
0x180: {  	s22 =	simm.s32 $0x16C00  }
0x181: {  	[tilespmem:s22], [sflag:$0x2] =	stream.indirect_vreg.gather [hbm4b:s6+s3], $0x80, v51, vm0, $0xb8;
	[tilespmem:$0x1B400] =	vst v63  }
0x182: {  	v51 =	vld [tilespmem:$0x31A0];
	_ =	sdelay $0x4  }
0x183: {  	v63 =	vshll.u32 v51, $0x3  }
0x184: {  	v51 =	vand.u32 $0x7, v51;
	v52 =	vand.u32 $0xFFFFFFC0, v63  }
0x185: {  	v51 =	vor.u32 v51, v52  }
0x186: {  	v52 =	vperm.xlane v51, v48;
	_ =	sdelay $0x1  }
0x187: {  	v52 =	vadd.s32 v49, v52;
	_ =	sdelay $0x3  }
0x188: {  	s23 =	simm.s32 $0x17400  }
0x189: {  	[tilespmem:s23], [sflag:$0x2] =	stream.indirect_vreg.gather [hbm4b:s2+s3], $0x80, v52, vm0, $0xb8;
	[tilespmem:$0x1B400] =	vst v63  }
0x18a: {  	s24 =	simm.s32 $0x17C00;
	v51 =	vperm.xlane v51, v50  }
0x18b: {  	[tilespmem:s24], [sflag:$0x2] =	stream.indirect_vreg.gather [hbm4b:s4+s3], $0x80, v52, vm0, $0xb8;
	[tilespmem:$0x1B400] =	vst v63  }
0x18c: {  	s22 =	simm.s32 $0x18400;
	v51 =	vadd.s32 v49, v51  }
0x18d: {  	[tilespmem:s22], [sflag:$0x2] =	stream.indirect_vreg.gather [hbm4b:s5+s3], $0x80, v52, vm0, $0xb8;
	[tilespmem:$0x1B400] =	vst v63  }
0x18e: {  	s23 =	simm.s32 $0x18C00  }
0x18f: {  	[tilespmem:s23], [sflag:$0x2] =	stream.indirect_vreg.gather [hbm4b:s6+s3], $0x80, v52, vm0, $0xb8;
	[tilespmem:$0x1B400] =	vst v63  }
0x190: {  	s24 =	simm.s32 $0x19400  }
0x191: {  	[tilespmem:s24], [sflag:$0x2] =	stream.indirect_vreg.gather [hbm4b:s2+s3], $0x80, v51, vm0, $0xb8;
	[tilespmem:$0x1B400] =	vst v63  }
0x192: {  	s25 =	simm.s32 $0x19C00  }
0x193: {  	[tilespmem:s25], [sflag:$0x2] =	stream.indirect_vreg.gather [hbm4b:s4+s3], $0x80, v51, vm0, $0xb8;
	[tilespmem:$0x1B400] =	vst v63  }
0x194: {  	s26 =	simm.s32 $0x1A400  }
0x195: {  	[tilespmem:s26], [sflag:$0x2] =	stream.indirect_vreg.gather [hbm4b:s5+s3], $0x80, v51, vm0, $0xb8;
	[tilespmem:$0x1B400] =	vst v63  }
0x196: {  	s9 =	simm.s32 $0x1AC00  }
0x197: {  	[tilespmem:s9], [sflag:$0x2] =	stream.indirect_vreg.gather [hbm4b:s6+s3], $0x80, v51, vm0, $0xb8;
	[tilespmem:$0x1B400] =	vst v63  }
0x198: {  	s1 =	simm.s32 $0x3400;
	s15 =	rddreg [dreg:$0x6]  }
0x199: {  	[hbm4b:s15+s3] =	stream.linear.scatter [tilespmem:s1], [sflag:$0x3], $0xC000, $0x38;
	[tilespmem:$0x1B400] =	vst v63  }
0x19a: {  	_ =	swait.ge [sflag:s13], $0xC000  }
0x19b: {  	[sflag:s13] =	ssyncset.done $0x0  }
0x19c: {  	[sflag:s13] =	ssyncadd.s32 $0xFFFF4000  }
0x19d: {  	_ =	swait.ge [sflag:s14], $0xC000  }
0x19e: {  	[sflag:s14] =	ssyncset.done $0x0  }
0x19f: {  	[sflag:s14] =	ssyncadd.s32 $0xFFFF4000  }
0x1a0: {  	v56 =	vld [tilespmem:$0x3200];
	_ =	sdelay $0x4  }
0x1a1: {  	v57 =	vshll.u32 v56, $0x3  }
0x1a2: {  	v51 =	vand.u32 $0x7, v56;
	v52 =	vand.u32 $0xFFFFFFC0, v57  }
0x1a3: {  	v51 =	vor.u32 v51, v52  }
0x1a4: {  	v52 =	vperm.xlane v51, v48;
	_ =	sdelay $0x1  }
0x1a5: {  	v52 =	vadd.s32 v49, v52;
	_ =	sdelay $0x4  }
0x1a6: {  	[tilespmem:s1], [sflag:$0x1] =	stream.indirect_vreg.gather [hbm4b:s2+s3], $0x80, v52, vm0, $0xb8;
	[tilespmem:$0x1B400] =	vst v63  }
0x1a7: {  	s15 =	simm.s32 $0x3C00;
	v51 =	vperm.xlane v51, v50  }
0x1a8: {  	[tilespmem:s15], [sflag:$0x1] =	stream.indirect_vreg.gather [hbm4b:s4+s3], $0x80, v52, vm0, $0xb8;
	[tilespmem:$0x1B400] =	vst v63  }
0x1a9: {  	s9 =	simm.s32 $0x4400;
	v51 =	vadd.s32 v49, v51  }
0x1aa: {  	[tilespmem:s9], [sflag:$0x1] =	stream.indirect_vreg.gather [hbm4b:s5+s3], $0x80, v52, vm0, $0xb8;
	[tilespmem:$0x1B400] =	vst v63  }
0x1ab: {  	s15 =	simm.s32 $0x4C00  }
0x1ac: {  	[tilespmem:s15], [sflag:$0x1] =	stream.indirect_vreg.gather [hbm4b:s6+s3], $0x80, v52, vm0, $0xb8;
	[tilespmem:$0x1B400] =	vst v63  }
0x1ad: {  	s9 =	simm.s32 $0x5400  }
0x1ae: {  	[tilespmem:s9], [sflag:$0x1] =	stream.indirect_vreg.gather [hbm4b:s2+s3], $0x80, v51, vm0, $0xb8;
	[tilespmem:$0x1B400] =	vst v63  }
0x1af: {  	s15 =	simm.s32 $0x5C00  }
0x1b0: {  	[tilespmem:s15], [sflag:$0x1] =	stream.indirect_vreg.gather [hbm4b:s4+s3], $0x80, v51, vm0, $0xb8;
	[tilespmem:$0x1B400] =	vst v63  }
0x1b1: {  	s9 =	simm.s32 $0x6400  }
0x1b2: {  	[tilespmem:s9], [sflag:$0x1] =	stream.indirect_vreg.gather [hbm4b:s5+s3], $0x80, v51, vm0, $0xb8;
	[tilespmem:$0x1B400] =	vst v63  }
0x1b3: {  	s15 =	simm.s32 $0x6C00  }
0x1b4: {  	[tilespmem:s15], [sflag:$0x1] =	stream.indirect_vreg.gather [hbm4b:s6+s3], $0x80, v51, vm0, $0xb8;
	[tilespmem:$0x1B400] =	vst v63  }
0x1b5: {  	v51 =	vld [tilespmem:$0x3210];
	_ =	sdelay $0x4  }
0x1b6: {  	v58 =	vshll.u32 v51, $0x3  }
0x1b7: {  	v51 =	vand.u32 $0x7, v51;
	v52 =	vand.u32 $0xFFFFFFC0, v58  }
0x1b8: {  	v51 =	vor.u32 v51, v52  }
0x1b9: {  	v52 =	vperm.xlane v51, v48;
	_ =	sdelay $0x1  }
0x1ba: {  	v52 =	vadd.s32 v49, v52;
	_ =	sdelay $0x3  }
0x1bb: {  	s9 =	simm.s32 $0x7400  }
0x1bc: {  	[tilespmem:s9], [sflag:$0x1] =	stream.indirect_vreg.gather [hbm4b:s2+s3], $0x80, v52, vm0, $0xb8;
	[tilespmem:$0x1B400] =	vst v63  }
0x1bd: {  	s15 =	simm.s32 $0x7C00;
	v51 =	vperm.xlane v51, v50  }
0x1be: {  	[tilespmem:s15], [sflag:$0x1] =	stream.indirect_vreg.gather [hbm4b:s4+s3], $0x80, v52, vm0, $0xb8;
	[tilespmem:$0x1B400] =	vst v63  }
0x1bf: {  	v51 =	vadd.s32 v49, v51;
	s9 =	simm.s32 $0x8400  }
0x1c0: {  	[tilespmem:s9], [sflag:$0x1] =	stream.indirect_vreg.gather [hbm4b:s5+s3], $0x80, v52, vm0, $0xb8;
	[tilespmem:$0x1B400] =	vst v63  }
0x1c1: {  	_ = 	snop  }
0x1c2: {  	[tilespmem:s28], [sflag:$0x1] =	stream.indirect_vreg.gather [hbm4b:s6+s3], $0x80, v52, vm0, $0xb8;
	[tilespmem:$0x1B400] =	vst v63  }
0x1c3: {  	_ = 	snop  }
0x1c4: {  	[tilespmem:s30], [sflag:$0x1] =	stream.indirect_vreg.gather [hbm4b:s2+s3], $0x80, v51, vm0, $0xb8;
	[tilespmem:$0x1B400] =	vst v63  }
0x1c5: {  	_ = 	snop  }
0x1c6: {  	[tilespmem:s31], [sflag:$0x1] =	stream.indirect_vreg.gather [hbm4b:s4+s3], $0x80, v51, vm0, $0xb8;
	[tilespmem:$0x1B400] =	vst v63  }
0x1c7: {  	s15 =	simm.s32 $0xA400  }
0x1c8: {  	[tilespmem:s15], [sflag:$0x1] =	stream.indirect_vreg.gather [hbm4b:s5+s3], $0x80, v51, vm0, $0xb8;
	[tilespmem:$0x1B400] =	vst v63  }
0x1c9: {  	_ = 	snop  }
0x1ca: {  	[tilespmem:s10], [sflag:$0x1] =	stream.indirect_vreg.gather [hbm4b:s6+s3], $0x80, v51, vm0, $0xb8;
	[tilespmem:$0x1B400] =	vst v63  }
0x1cb: {  	v51 =	vld [tilespmem:$0x3220];
	_ =	sdelay $0x4  }
0x1cc: {  	v59 =	vshll.u32 v51, $0x3  }
0x1cd: {  	v51 =	vand.u32 $0x7, v51;
	v52 =	vand.u32 $0xFFFFFFC0, v59  }
0x1ce: {  	v51 =	vor.u32 v51, v52  }
0x1cf: {  	v52 =	vperm.xlane v51, v48;
	_ =	sdelay $0x1  }
0x1d0: {  	v52 =	vadd.s32 v49, v52;
	_ =	sdelay $0x3  }
0x1d1: {  	s9 =	simm.s32 $0xB400  }
0x1d2: {  	[tilespmem:s9], [sflag:$0x1] =	stream.indirect_vreg.gather [hbm4b:s2+s3], $0x80, v52, vm0, $0xb8;
	[tilespmem:$0x1B400] =	vst v63  }
0x1d3: {  	s10 =	simm.s32 $0xBC00;
	v51 =	vperm.xlane v51, v50  }
0x1d4: {  	[tilespmem:s10], [sflag:$0x1] =	stream.indirect_vreg.gather [hbm4b:s4+s3], $0x80, v52, vm0, $0xb8;
	[tilespmem:$0x1B400] =	vst v63  }
0x1d5: {  	v51 =	vadd.s32 v49, v51  }
0x1d6: {  	[tilespmem:s29], [sflag:$0x1] =	stream.indirect_vreg.gather [hbm4b:s5+s3], $0x80, v52, vm0, $0xb8;
	[tilespmem:$0x1B400] =	vst v63  }
0x1d7: {  	s15 =	simm.s32 $0xCC00  }
0x1d8: {  	[tilespmem:s15], [sflag:$0x1] =	stream.indirect_vreg.gather [hbm4b:s6+s3], $0x80, v52, vm0, $0xb8;
	[tilespmem:$0x1B400] =	vst v63  }
0x1d9: {  	_ = 	snop  }
0x1da: {  	[tilespmem:s12], [sflag:$0x1] =	stream.indirect_vreg.gather [hbm4b:s2+s3], $0x80, v51, vm0, $0xb8;
	[tilespmem:$0x1B400] =	vst v63  }
0x1db: {  	s9 =	simm.s32 $0xDC00  }
0x1dc: {  	[tilespmem:s9], [sflag:$0x1] =	stream.indirect_vreg.gather [hbm4b:s4+s3], $0x80, v51, vm0, $0xb8;
	[tilespmem:$0x1B400] =	vst v63  }
0x1dd: {  	s1 =	simm.s32 $0xE400  }
0x1de: {  	[tilespmem:s1], [sflag:$0x1] =	stream.indirect_vreg.gather [hbm4b:s5+s3], $0x80, v51, vm0, $0xb8;
	[tilespmem:$0x1B400] =	vst v63  }
0x1df: {  	s9 =	simm.s32 $0xEC00  }
0x1e0: {  	[tilespmem:s9], [sflag:$0x1] =	stream.indirect_vreg.gather [hbm4b:s6+s3], $0x80, v51, vm0, $0xb8;
	[tilespmem:$0x1B400] =	vst v63  }
0x1e1: {  	s15 =	rddreg [dreg:$0x7]  }
0x1e2: {  	[hbm4b:s15+s3] =	stream.linear.scatter [tilespmem:s8], [sflag:$0x4], $0xC000, $0x38;
	[tilespmem:$0x1B400] =	vst v63  }
0x1e3: {  	_ =	swait.ge [sflag:s7], $0xC000  }
0x1e4: {  	[sflag:s7] =	ssyncset.done $0x0  }
0x1e5: {  	[sflag:s7] =	ssyncadd.s32 $0xFFFF4000  }
0x1e6: {  	_ =	swait.ge [sflag:s0], $0xC000  }
0x1e7: {  	[sflag:s0] =	ssyncset.done $0x0  }
0x1e8: {  	[sflag:s0] =	ssyncadd.s32 $0xFFFF4000  }
0x1e9: {  	v60 =	vld [tilespmem:$0x3280];
	_ =	sdelay $0x4  }
0x1ea: {  	v61 =	vshll.u32 v60, $0x3  }
0x1eb: {  	v51 =	vand.u32 $0x7, v60;
	v52 =	vand.u32 $0xFFFFFFC0, v61  }
0x1ec: {  	v51 =	vor.u32 v51, v52  }
0x1ed: {  	v52 =	vperm.xlane v51, v48;
	_ =	sdelay $0x1  }
0x1ee: {  	v52 =	vadd.s32 v49, v52;
	_ =	sdelay $0x4  }
0x1ef: {  	[tilespmem:s8], [sflag:$0x2] =	stream.indirect_vreg.gather [hbm4b:s2+s3], $0x80, v52, vm0, $0xb8;
	[tilespmem:$0x1B400] =	vst v63  }
0x1f0: {  	s9 =	simm.s32 $0xFC00;
	v51 =	vperm.xlane v51, v50  }
0x1f1: {  	[tilespmem:s9], [sflag:$0x2] =	stream.indirect_vreg.gather [hbm4b:s4+s3], $0x80, v52, vm0, $0xb8;
	[tilespmem:$0x1B400] =	vst v63  }
0x1f2: {  	s15 =	simm.s32 $0x10400;
	v51 =	vadd.s32 v49, v51  }
0x1f3: {  	[tilespmem:s15], [sflag:$0x2] =	stream.indirect_vreg.gather [hbm4b:s5+s3], $0x80, v52, vm0, $0xb8;
	[tilespmem:$0x1B400] =	vst v63  }
0x1f4: {  	s1 =	simm.s32 $0x10C00  }
0x1f5: {  	[tilespmem:s1], [sflag:$0x2] =	stream.indirect_vreg.gather [hbm4b:s6+s3], $0x80, v52, vm0, $0xb8;
	[tilespmem:$0x1B400] =	vst v63  }
0x1f6: {  	s9 =	simm.s32 $0x11400  }
0x1f7: {  	[tilespmem:s9], [sflag:$0x2] =	stream.indirect_vreg.gather [hbm4b:s2+s3], $0x80, v51, vm0, $0xb8;
	[tilespmem:$0x1B400] =	vst v63  }
0x1f8: {  	_ = 	snop  }
0x1f9: {  	[tilespmem:s11], [sflag:$0x2] =	stream.indirect_vreg.gather [hbm4b:s4+s3], $0x80, v51, vm0, $0xb8;
	[tilespmem:$0x1B400] =	vst v63  }
0x1fa: {  	_ = 	snop  }
0x1fb: {  	[tilespmem:s16], [sflag:$0x2] =	stream.indirect_vreg.gather [hbm4b:s5+s3], $0x80, v51, vm0, $0xb8;
	[tilespmem:$0x1B400] =	vst v63  }
0x1fc: {  	s15 =	simm.s32 $0x12C00  }
0x1fd: {  	[tilespmem:s15], [sflag:$0x2] =	stream.indirect_vreg.gather [hbm4b:s6+s3], $0x80, v51, vm0, $0xb8;
	[tilespmem:$0x1B400] =	vst v63  }
0x1fe: {  	v51 =	vld [tilespmem:$0x3290];
	_ =	sdelay $0x4  }
0x1ff: {  	v62 =	vshll.u32 v51, $0x3  }
0x200: {  	v51 =	vand.u32 $0x7, v51;
	v52 =	vand.u32 $0xFFFFFFC0, v62  }
0x201: {  	v51 =	vor.u32 v51, v52  }
0x202: {  	v52 =	vperm.xlane v51, v48;
	_ =	sdelay $0x1  }
0x203: {  	v52 =	vadd.s32 v49, v52;
	_ =	sdelay $0x3  }
0x204: {  	s15 =	simm.s32 $0x13400  }
0x205: {  	[tilespmem:s15], [sflag:$0x2] =	stream.indirect_vreg.gather [hbm4b:s2+s3], $0x80, v52, vm0, $0xb8;
	[tilespmem:$0x1B400] =	vst v63  }
0x206: {  	v51 =	vperm.xlane v51, v50;
	s15 =	simm.s32 $0x13C00  }
0x207: {  	[tilespmem:s15], [sflag:$0x2] =	stream.indirect_vreg.gather [hbm4b:s4+s3], $0x80, v52, vm0, $0xb8;
	[tilespmem:$0x1B400] =	vst v63  }
0x208: {  	v51 =	vadd.s32 v49, v51  }
0x209: {  	[tilespmem:s17], [sflag:$0x2] =	stream.indirect_vreg.gather [hbm4b:s5+s3], $0x80, v52, vm0, $0xb8;
	[tilespmem:$0x1B400] =	vst v63  }
0x20a: {  	_ = 	snop  }
0x20b: {  	[tilespmem:s18], [sflag:$0x2] =	stream.indirect_vreg.gather [hbm4b:s6+s3], $0x80, v52, vm0, $0xb8;
	[tilespmem:$0x1B400] =	vst v63  }
0x20c: {  	_ = 	snop  }
0x20d: {  	[tilespmem:s19], [sflag:$0x2] =	stream.indirect_vreg.gather [hbm4b:s2+s3], $0x80, v51, vm0, $0xb8;
	[tilespmem:$0x1B400] =	vst v63  }
0x20e: {  	_ = 	snop  }
0x20f: {  	[tilespmem:s20], [sflag:$0x2] =	stream.indirect_vreg.gather [hbm4b:s4+s3], $0x80, v51, vm0, $0xb8;
	[tilespmem:$0x1B400] =	vst v63  }
0x210: {  	_ = 	snop  }
0x211: {  	[tilespmem:s21], [sflag:$0x2] =	stream.indirect_vreg.gather [hbm4b:s5+s3], $0x80, v51, vm0, $0xb8;
	[tilespmem:$0x1B400] =	vst v63  }
0x212: {  	s15 =	simm.s32 $0x16C00  }
0x213: {  	[tilespmem:s15], [sflag:$0x2] =	stream.indirect_vreg.gather [hbm4b:s6+s3], $0x80, v51, vm0, $0xb8;
	[tilespmem:$0x1B400] =	vst v63  }
0x214: {  	v51 =	vld [tilespmem:$0x32A0];
	_ =	sdelay $0x4  }
0x215: {  	v63 =	vshll.u32 v51, $0x3  }
0x216: {  	v51 =	vand.u32 $0x7, v51;
	v52 =	vand.u32 $0xFFFFFFC0, v63  }
0x217: {  	v51 =	vor.u32 v51, v52  }
0x218: {  	v52 =	vperm.xlane v51, v48;
	_ =	sdelay $0x1  }
0x219: {  	v52 =	vadd.s32 v49, v52;
	_ =	sdelay $0x3  }
0x21a: {  	s15 =	simm.s32 $0x17400  }
0x21b: {  	[tilespmem:s15], [sflag:$0x2] =	stream.indirect_vreg.gather [hbm4b:s2+s3], $0x80, v52, vm0, $0xb8;
	[tilespmem:$0x1B400] =	vst v63  }
0x21c: {  	v51 =	vperm.xlane v51, v50;
	s15 =	simm.s32 $0x17C00  }
0x21d: {  	[tilespmem:s15], [sflag:$0x2] =	stream.indirect_vreg.gather [hbm4b:s4+s3], $0x80, v52, vm0, $0xb8;
	[tilespmem:$0x1B400] =	vst v63  }
0x21e: {  	v51 =	vadd.s32 v49, v51  }
0x21f: {  	[tilespmem:s22], [sflag:$0x2] =	stream.indirect_vreg.gather [hbm4b:s5+s3], $0x80, v52, vm0, $0xb8;
	[tilespmem:$0x1B400] =	vst v63  }
0x220: {  	_ = 	snop  }
0x221: {  	[tilespmem:s23], [sflag:$0x2] =	stream.indirect_vreg.gather [hbm4b:s6+s3], $0x80, v52, vm0, $0xb8;
	[tilespmem:$0x1B400] =	vst v63  }
0x222: {  	_ = 	snop  }
0x223: {  	[tilespmem:s24], [sflag:$0x2] =	stream.indirect_vreg.gather [hbm4b:s2+s3], $0x80, v51, vm0, $0xb8;
	[tilespmem:$0x1B400] =	vst v63  }
0x224: {  	_ = 	snop  }
0x225: {  	[tilespmem:s25], [sflag:$0x2] =	stream.indirect_vreg.gather [hbm4b:s4+s3], $0x80, v51, vm0, $0xb8;
	[tilespmem:$0x1B400] =	vst v63  }
0x226: {  	_ = 	snop  }
0x227: {  	[tilespmem:s26], [sflag:$0x2] =	stream.indirect_vreg.gather [hbm4b:s5+s3], $0x80, v51, vm0, $0xb8;
	[tilespmem:$0x1B400] =	vst v63  }
0x228: {  	s1 =	simm.s32 $0x1AC00  }
0x229: {  	[tilespmem:s1], [sflag:$0x2] =	stream.indirect_vreg.gather [hbm4b:s6+s3], $0x80, v51, vm0, $0xb8;
	[tilespmem:$0x1B400] =	vst v63  }
0x22a: {  	s15 =	rddreg [dreg:$0x8];
	s1 =	simm.s32 $0x3400  }
0x22b: {  	[hbm4b:s15+s3] =	stream.linear.scatter [tilespmem:s1], [sflag:$0x3], $0xC000, $0x38;
	[tilespmem:$0x1B400] =	vst v63  }
0x22c: {  	_ =	swait.ge [sflag:s13], $0xC000  }
0x22d: {  	[sflag:s13] =	ssyncset.done $0x0  }
0x22e: {  	[sflag:s13] =	ssyncadd.s32 $0xFFFF4000  }
0x22f: {  	_ =	swait.ge [sflag:s14], $0xC000  }
0x230: {  	[sflag:s14] =	ssyncset.done $0x0  }
0x231: {  	[sflag:s14] =	ssyncadd.s32 $0xFFFF4000  }
0x232: {  	v56 =	vld [tilespmem:$0x3300];
	_ =	sdelay $0x4  }
0x233: {  	v57 =	vshll.u32 v56, $0x3  }
0x234: {  	v51 =	vand.u32 $0x7, v56;
	v52 =	vand.u32 $0xFFFFFFC0, v57  }
0x235: {  	v51 =	vor.u32 v51, v52  }
0x236: {  	v52 =	vperm.xlane v51, v48;
	_ =	sdelay $0x1  }
0x237: {  	v52 =	vadd.s32 v49, v52;
	_ =	sdelay $0x4  }
0x238: {  	[tilespmem:s1], [sflag:$0x1] =	stream.indirect_vreg.gather [hbm4b:s2+s3], $0x80, v52, vm0, $0xb8;
	[tilespmem:$0x1B400] =	vst v63  }
0x239: {  	s15 =	simm.s32 $0x3C00;
	v51 =	vperm.xlane v51, v50  }
0x23a: {  	[tilespmem:s15], [sflag:$0x1] =	stream.indirect_vreg.gather [hbm4b:s4+s3], $0x80, v52, vm0, $0xb8;
	[tilespmem:$0x1B400] =	vst v63  }
0x23b: {  	v51 =	vadd.s32 v49, v51;
	s15 =	simm.s32 $0x4400  }
0x23c: {  	[tilespmem:s15], [sflag:$0x1] =	stream.indirect_vreg.gather [hbm4b:s5+s3], $0x80, v52, vm0, $0xb8;
	[tilespmem:$0x1B400] =	vst v63  }
0x23d: {  	s15 =	simm.s32 $0x4C00  }
0x23e: {  	[tilespmem:s15], [sflag:$0x1] =	stream.indirect_vreg.gather [hbm4b:s6+s3], $0x80, v52, vm0, $0xb8;
	[tilespmem:$0x1B400] =	vst v63  }
0x23f: {  	s15 =	simm.s32 $0x5400  }
0x240: {  	[tilespmem:s15], [sflag:$0x1] =	stream.indirect_vreg.gather [hbm4b:s2+s3], $0x80, v51, vm0, $0xb8;
	[tilespmem:$0x1B400] =	vst v63  }
0x241: {  	s15 =	simm.s32 $0x5C00  }
0x242: {  	[tilespmem:s15], [sflag:$0x1] =	stream.indirect_vreg.gather [hbm4b:s4+s3], $0x80, v51, vm0, $0xb8;
	[tilespmem:$0x1B400] =	vst v63  }
0x243: {  	s15 =	simm.s32 $0x6400  }
0x244: {  	[tilespmem:s15], [sflag:$0x1] =	stream.indirect_vreg.gather [hbm4b:s5+s3], $0x80, v51, vm0, $0xb8;
	[tilespmem:$0x1B400] =	vst v63  }
0x245: {  	s15 =	simm.s32 $0x6C00  }
0x246: {  	[tilespmem:s15], [sflag:$0x1] =	stream.indirect_vreg.gather [hbm4b:s6+s3], $0x80, v51, vm0, $0xb8;
	[tilespmem:$0x1B400] =	vst v63  }
0x247: {  	v51 =	vld [tilespmem:$0x3310];
	_ =	sdelay $0x4  }
0x248: {  	v58 =	vshll.u32 v51, $0x3  }
0x249: {  	v51 =	vand.u32 $0x7, v51;
	v52 =	vand.u32 $0xFFFFFFC0, v58  }
0x24a: {  	v51 =	vor.u32 v51, v52  }
0x24b: {  	v52 =	vperm.xlane v51, v48;
	_ =	sdelay $0x1  }
0x24c: {  	v52 =	vadd.s32 v49, v52;
	_ =	sdelay $0x3  }
0x24d: {  	s15 =	simm.s32 $0x7400  }
0x24e: {  	[tilespmem:s15], [sflag:$0x1] =	stream.indirect_vreg.gather [hbm4b:s2+s3], $0x80, v52, vm0, $0xb8;
	[tilespmem:$0x1B400] =	vst v63  }
0x24f: {  	v51 =	vperm.xlane v51, v50;
	s15 =	simm.s32 $0x7C00  }
0x250: {  	[tilespmem:s15], [sflag:$0x1] =	stream.indirect_vreg.gather [hbm4b:s4+s3], $0x80, v52, vm0, $0xb8;
	[tilespmem:$0x1B400] =	vst v63  }
0x251: {  	v51 =	vadd.s32 v49, v51;
	s15 =	simm.s32 $0x8400  }
0x252: {  	[tilespmem:s15], [sflag:$0x1] =	stream.indirect_vreg.gather [hbm4b:s5+s3], $0x80, v52, vm0, $0xb8;
	[tilespmem:$0x1B400] =	vst v63  }
0x253: {  	s28 =	simm.s32 $0x8C00  }
0x254: {  	[tilespmem:s28], [sflag:$0x1] =	stream.indirect_vreg.gather [hbm4b:s6+s3], $0x80, v52, vm0, $0xb8;
	[tilespmem:$0x1B400] =	vst v63  }
0x255: {  	s30 =	simm.s32 $0x9400  }
0x256: {  	[tilespmem:s30], [sflag:$0x1] =	stream.indirect_vreg.gather [hbm4b:s2+s3], $0x80, v51, vm0, $0xb8;
	[tilespmem:$0x1B400] =	vst v63  }
0x257: {  	s31 =	simm.s32 $0x9C00  }
0x258: {  	[tilespmem:s31], [sflag:$0x1] =	stream.indirect_vreg.gather [hbm4b:s4+s3], $0x80, v51, vm0, $0xb8;
	[tilespmem:$0x1B400] =	vst v63  }
0x259: {  	s28 =	simm.s32 $0xA400  }
0x25a: {  	[tilespmem:s28], [sflag:$0x1] =	stream.indirect_vreg.gather [hbm4b:s5+s3], $0x80, v51, vm0, $0xb8;
	[tilespmem:$0x1B400] =	vst v63  }
0x25b: {  	s30 =	simm.s32 $0xAC00  }
0x25c: {  	[tilespmem:s30], [sflag:$0x1] =	stream.indirect_vreg.gather [hbm4b:s6+s3], $0x80, v51, vm0, $0xb8;
	[tilespmem:$0x1B400] =	vst v63  }
0x25d: {  	v51 =	vld [tilespmem:$0x3320];
	_ =	sdelay $0x4  }
0x25e: {  	v59 =	vshll.u32 v51, $0x3  }
0x25f: {  	v51 =	vand.u32 $0x7, v51;
	v52 =	vand.u32 $0xFFFFFFC0, v59  }
0x260: {  	v51 =	vor.u32 v51, v52  }
0x261: {  	v52 =	vperm.xlane v51, v48;
	_ =	sdelay $0x1  }
0x262: {  	v52 =	vadd.s32 v49, v52;
	_ =	sdelay $0x3  }
0x263: {  	s31 =	simm.s32 $0xB400  }
0x264: {  	[tilespmem:s31], [sflag:$0x1] =	stream.indirect_vreg.gather [hbm4b:s2+s3], $0x80, v52, vm0, $0xb8;
	[tilespmem:$0x1B400] =	vst v63  }
0x265: {  	s28 =	simm.s32 $0xBC00;
	v51 =	vperm.xlane v51, v50  }
0x266: {  	[tilespmem:s28], [sflag:$0x1] =	stream.indirect_vreg.gather [hbm4b:s4+s3], $0x80, v52, vm0, $0xb8;
	[tilespmem:$0x1B400] =	vst v63  }
0x267: {  	s29 =	simm.s32 $0xC400;
	v51 =	vadd.s32 v49, v51  }
0x268: {  	[tilespmem:s29], [sflag:$0x1] =	stream.indirect_vreg.gather [hbm4b:s5+s3], $0x80, v52, vm0, $0xb8;
	[tilespmem:$0x1B400] =	vst v63  }
0x269: {  	s10 =	simm.s32 $0xCC00  }
0x26a: {  	[tilespmem:s10], [sflag:$0x1] =	stream.indirect_vreg.gather [hbm4b:s6+s3], $0x80, v52, vm0, $0xb8;
	[tilespmem:$0x1B400] =	vst v63  }
0x26b: {  	s12 =	simm.s32 $0xD400  }
0x26c: {  	[tilespmem:s12], [sflag:$0x1] =	stream.indirect_vreg.gather [hbm4b:s2+s3], $0x80, v51, vm0, $0xb8;
	[tilespmem:$0x1B400] =	vst v63  }
0x26d: {  	s30 =	simm.s32 $0xDC00  }
0x26e: {  	[tilespmem:s30], [sflag:$0x1] =	stream.indirect_vreg.gather [hbm4b:s4+s3], $0x80, v51, vm0, $0xb8;
	[tilespmem:$0x1B400] =	vst v63  }
0x26f: {  	s31 =	simm.s32 $0xE400  }
0x270: {  	[tilespmem:s31], [sflag:$0x1] =	stream.indirect_vreg.gather [hbm4b:s5+s3], $0x80, v51, vm0, $0xb8;
	[tilespmem:$0x1B400] =	vst v63  }
0x271: {  	s28 =	simm.s32 $0xEC00  }
0x272: {  	[tilespmem:s28], [sflag:$0x1] =	stream.indirect_vreg.gather [hbm4b:s6+s3], $0x80, v51, vm0, $0xb8;
	[tilespmem:$0x1B400] =	vst v63  }
0x273: {  	s12 =	rddreg [dreg:$0x9]  }
0x274: {  	[hbm4b:s12+s3] =	stream.linear.scatter [tilespmem:s8], [sflag:$0x4], $0xC000, $0x38;
	[tilespmem:$0x1B400] =	vst v63  }
0x275: {  	_ =	swait.ge [sflag:s7], $0xC000  }
0x276: {  	[sflag:s7] =	ssyncset.done $0x0  }
0x277: {  	[sflag:s7] =	ssyncadd.s32 $0xFFFF4000  }
0x278: {  	s7 =	rddreg [dreg:$0xc];
	_ =	swait.ge [sflag:s0], $0xC000  }
0x279: {  	[sflag:s0] =	ssyncset.done $0x0  }
0x27a: {  	[sflag:s0] =	ssyncadd.s32 $0xFFFF4000  }
0x27b: {  	v60 =	vld [tilespmem:$0x3380];
	_ =	sdelay $0x4  }
0x27c: {  	v61 =	vshll.u32 v60, $0x3  }
0x27d: {  	v51 =	vand.u32 $0x7, v60;
	v52 =	vand.u32 $0xFFFFFFC0, v61  }
0x27e: {  	v51 =	vor.u32 v51, v52  }
0x27f: {  	v52 =	vperm.xlane v51, v48;
	_ =	sdelay $0x1  }
0x280: {  	v52 =	vadd.s32 v49, v52;
	_ =	sdelay $0x4  }
0x281: {  	[tilespmem:s8], [sflag:$0x2] =	stream.indirect_vreg.gather [hbm4b:s2+s3], $0x80, v52, vm0, $0xb8;
	[tilespmem:$0x1B400] =	vst v63  }
0x282: {  	s29 =	simm.s32 $0xFC00;
	v51 =	vperm.xlane v51, v50  }
0x283: {  	[tilespmem:s29], [sflag:$0x2] =	stream.indirect_vreg.gather [hbm4b:s4+s3], $0x80, v52, vm0, $0xb8;
	[tilespmem:$0x1B400] =	vst v63  }
0x284: {  	s30 =	simm.s32 $0x10400;
	v51 =	vadd.s32 v49, v51  }
0x285: {  	[tilespmem:s30], [sflag:$0x2] =	stream.indirect_vreg.gather [hbm4b:s5+s3], $0x80, v52, vm0, $0xb8;
	[tilespmem:$0x1B400] =	vst v63  }
0x286: {  	s31 =	simm.s32 $0x10C00  }
0x287: {  	[tilespmem:s31], [sflag:$0x2] =	stream.indirect_vreg.gather [hbm4b:s6+s3], $0x80, v52, vm0, $0xb8;
	[tilespmem:$0x1B400] =	vst v63  }
0x288: {  	s9 =	simm.s32 $0x11400  }
0x289: {  	[tilespmem:s9], [sflag:$0x2] =	stream.indirect_vreg.gather [hbm4b:s2+s3], $0x80, v51, vm0, $0xb8;
	[tilespmem:$0x1B400] =	vst v63  }
0x28a: {  	s11 =	simm.s32 $0x11C00  }
0x28b: {  	[tilespmem:s11], [sflag:$0x2] =	stream.indirect_vreg.gather [hbm4b:s4+s3], $0x80, v51, vm0, $0xb8;
	[tilespmem:$0x1B400] =	vst v63  }
0x28c: {  	s16 =	simm.s32 $0x12400  }
0x28d: {  	[tilespmem:s16], [sflag:$0x2] =	stream.indirect_vreg.gather [hbm4b:s5+s3], $0x80, v51, vm0, $0xb8;
	[tilespmem:$0x1B400] =	vst v63  }
0x28e: {  	s12 =	simm.s32 $0x12C00  }
0x28f: {  	[tilespmem:s12], [sflag:$0x2] =	stream.indirect_vreg.gather [hbm4b:s6+s3], $0x80, v51, vm0, $0xb8;
	[tilespmem:$0x1B400] =	vst v63  }
0x290: {  	v51 =	vld [tilespmem:$0x3390];
	_ =	sdelay $0x4  }
0x291: {  	v62 =	vshll.u32 v51, $0x3  }
0x292: {  	v51 =	vand.u32 $0x7, v51;
	v52 =	vand.u32 $0xFFFFFFC0, v62  }
0x293: {  	v51 =	vor.u32 v51, v52  }
0x294: {  	v52 =	vperm.xlane v51, v48;
	_ =	sdelay $0x1  }
0x295: {  	v52 =	vadd.s32 v49, v52;
	_ =	sdelay $0x3  }
0x296: {  	s15 =	simm.s32 $0x13400  }
0x297: {  	[tilespmem:s15], [sflag:$0x2] =	stream.indirect_vreg.gather [hbm4b:s2+s3], $0x80, v52, vm0, $0xb8;
	[tilespmem:$0x1B400] =	vst v63  }
0x298: {  	s16 =	simm.s32 $0x13C00;
	v51 =	vperm.xlane v51, v50  }
0x299: {  	[tilespmem:s16], [sflag:$0x2] =	stream.indirect_vreg.gather [hbm4b:s4+s3], $0x80, v52, vm0, $0xb8;
	[tilespmem:$0x1B400] =	vst v63  }
0x29a: {  	s17 =	simm.s32 $0x14400;
	v51 =	vadd.s32 v49, v51  }
0x29b: {  	[tilespmem:s17], [sflag:$0x2] =	stream.indirect_vreg.gather [hbm4b:s5+s3], $0x80, v52, vm0, $0xb8;
	[tilespmem:$0x1B400] =	vst v63  }
0x29c: {  	s18 =	simm.s32 $0x14C00  }
0x29d: {  	[tilespmem:s18], [sflag:$0x2] =	stream.indirect_vreg.gather [hbm4b:s6+s3], $0x80, v52, vm0, $0xb8;
	[tilespmem:$0x1B400] =	vst v63  }
0x29e: {  	s19 =	simm.s32 $0x15400  }
0x29f: {  	[tilespmem:s19], [sflag:$0x2] =	stream.indirect_vreg.gather [hbm4b:s2+s3], $0x80, v51, vm0, $0xb8;
	[tilespmem:$0x1B400] =	vst v63  }
0x2a0: {  	s20 =	simm.s32 $0x15C00  }
0x2a1: {  	[tilespmem:s20], [sflag:$0x2] =	stream.indirect_vreg.gather [hbm4b:s4+s3], $0x80, v51, vm0, $0xb8;
	[tilespmem:$0x1B400] =	vst v63  }
0x2a2: {  	s21 =	simm.s32 $0x16400  }
0x2a3: {  	[tilespmem:s21], [sflag:$0x2] =	stream.indirect_vreg.gather [hbm4b:s5+s3], $0x80, v51, vm0, $0xb8;
	[tilespmem:$0x1B400] =	vst v63  }
0x2a4: {  	s20 =	simm.s32 $0x16C00  }
0x2a5: {  	[tilespmem:s20], [sflag:$0x2] =	stream.indirect_vreg.gather [hbm4b:s6+s3], $0x80, v51, vm0, $0xb8;
	[tilespmem:$0x1B400] =	vst v63  }
0x2a6: {  	v51 =	vld [tilespmem:$0x33A0];
	_ =	sdelay $0x4  }
0x2a7: {  	v63 =	vshll.u32 v51, $0x3  }
0x2a8: {  	v51 =	vand.u32 $0x7, v51;
	v52 =	vand.u32 $0xFFFFFFC0, v63  }
0x2a9: {  	v51 =	vor.u32 v51, v52  }
0x2aa: {  	v52 =	vperm.xlane v51, v48;
	_ =	sdelay $0x1  }
0x2ab: {  	v52 =	vadd.s32 v49, v52;
	_ =	sdelay $0x3  }
0x2ac: {  	s21 =	simm.s32 $0x17400  }
0x2ad: {  	[tilespmem:s21], [sflag:$0x2] =	stream.indirect_vreg.gather [hbm4b:s2+s3], $0x80, v52, vm0, $0xb8;
	[tilespmem:$0x1B400] =	vst v63  }
0x2ae: {  	s28 =	simm.s32 $0x17C00;
	v51 =	vperm.xlane v51, v50  }
0x2af: {  	[tilespmem:s28], [sflag:$0x2] =	stream.indirect_vreg.gather [hbm4b:s4+s3], $0x80, v52, vm0, $0xb8;
	[tilespmem:$0x1B400] =	vst v63  }
0x2b0: {  	s22 =	simm.s32 $0x18400;
	v51 =	vadd.s32 v49, v51  }
0x2b1: {  	[tilespmem:s22], [sflag:$0x2] =	stream.indirect_vreg.gather [hbm4b:s5+s3], $0x80, v52, vm0, $0xb8;
	[tilespmem:$0x1B400] =	vst v63  }
0x2b2: {  	s23 =	simm.s32 $0x18C00  }
0x2b3: {  	[tilespmem:s23], [sflag:$0x2] =	stream.indirect_vreg.gather [hbm4b:s6+s3], $0x80, v52, vm0, $0xb8;
	[tilespmem:$0x1B400] =	vst v63  }
0x2b4: {  	s24 =	simm.s32 $0x19400  }
0x2b5: {  	[tilespmem:s24], [sflag:$0x2] =	stream.indirect_vreg.gather [hbm4b:s2+s3], $0x80, v51, vm0, $0xb8;
	[tilespmem:$0x1B400] =	vst v63  }
0x2b6: {  	s25 =	simm.s32 $0x19C00  }
0x2b7: {  	[tilespmem:s25], [sflag:$0x2] =	stream.indirect_vreg.gather [hbm4b:s4+s3], $0x80, v51, vm0, $0xb8;
	[tilespmem:$0x1B400] =	vst v63  }
0x2b8: {  	s26 =	simm.s32 $0x1A400  }
0x2b9: {  	[tilespmem:s26], [sflag:$0x2] =	stream.indirect_vreg.gather [hbm4b:s5+s3], $0x80, v51, vm0, $0xb8;
	[tilespmem:$0x1B400] =	vst v63  }
0x2ba: {  	s30 =	simm.s32 $0x1AC00  }
0x2bb: {  	[tilespmem:s30], [sflag:$0x2] =	stream.indirect_vreg.gather [hbm4b:s6+s3], $0x80, v51, vm0, $0xb8;
	[tilespmem:$0x1B400] =	vst v63  }
0x2bc: {  	s1 =	simm.s32 $0x3400;
	s29 =	rddreg [dreg:$0xa]  }
0x2bd: {  	[hbm4b:s29+s3] =	stream.linear.scatter [tilespmem:s1], [sflag:$0x3], $0xC000, $0x38;
	[tilespmem:$0x1B400] =	vst v63  }
0x2be: {  	_ =	swait.ge [sflag:s13], $0xC000  }
0x2bf: {  	[sflag:s13] =	ssyncset.done $0x0  }
0x2c0: {  	s31 =	rddreg [dreg:$0xb];
	[sflag:s13] =	ssyncadd.s32 $0xFFFF4000  }
0x2c1: {  	[hbm4b:s31+s3] =	stream.linear.scatter [tilespmem:s8], [sflag:$0x4], $0xC000, $0x38;
	[tilespmem:$0x1B400] =	vst v63  }
0x2c2: {  	p0 =	sne.s32 s7, $0x1;
	_ =	swait.ge [sflag:s14], $0xC000  }
.Ltmp0:
0x2c3: {  	[sflag:s14] =	ssyncset.done $0x0;
	(pc) =	sbr.rel @p0 .LBB2_1-.Ltmp0, $4  }
0x2c4: {  	[sflag:s14] =	ssyncadd.s32 $0xFFFF4000  }
0x2c5: {  	_ =	swait.ge [sflag:s0], $0xC000  }
0x2c6: {  	[sflag:s0] =	ssyncset.done $0x0  }
0x2c7: {  	s7 =	sadd.s32 $0xFFFFFFFF, s7;
	[sflag:s0] =	ssyncadd.s32 $0xFFFF4000  }
0x2c8: {  	_ =	sfence.sel $0x180000  }
0x2c9: {  	[bflag:$0x0] =	sbarrier.arrive $0xFFFF  }
0x2ca: {  	_ =	strace $0x90000047  }
0x2cb: {  	s0 =	stileid.u32;
	[bflag:$0x2] =	sbarrier.arrive $0xFFFF  }
0x2cc: {  	p0 =	sne.s32 s0, $0x0;
	s0 =	rddreg [dreg:$0x2]  }
0x2cd: {  	s0 =	sadd.s32 @!p0 $0x100000, s0  }
0x2ce: {  	[sflag:s0] =	ssyncadd.tile.s32 @!p0 $0x1;
	_ =	shalt  }
.Lfunc_end2:
_tile_overlayer_lowered:
.L_overlay_start_2:
0x2cf: {  	(tag) =	ssettag $0x2  }
0x2d0: {  	s0 =	rddreg [dreg:$0x0];
	s2 =	stileid.u32  }
0x2d1: {  	s1 =	rddreg [dreg:$0x1];
	p0 =	sne.s32 s2, $0x0  }
0x2d2: {  	s3 =	rddreg [dreg:$0x2];
	[bflag:$0x3] =	sbarrier.arrive $0xFFFF;
	s2 =	simm.s32 @!p0 $0x1C05  }
0x2d3: {  	[timem:s3], [sflag:s2] =	dma.local @!p0 [hbm:s0], s1  }
0x2d4: {  	s0 =	simm.s32 @!p0 $0x5  }
0x2d5: {  	_ =	swait.ge @!p0 [sflag:s0], s1  }
0x2d6: {  	s1 =	ssub.s32 @!p0 $0x0, s1;
	[sflag:s0] =	ssyncset.done @!p0 $0x0  }
0x2d7: {  	[sflag:s0] =	ssyncadd.s32 @!p0 s1  }
0x2d8: {  	[bflag:$0x3] =	sbarrier.arrive $0xFFFF  }
0x2d9: {  	_ =	shalt  }

</sc_bundles>
